<compile_context>
chip_gen: v7x
topology: tpu7x:2x2x1
jax: 0.10.2.dev20260603
libtpu: 0.0.44.dev20260713+nightly
codegen_flags: <defaults>
</compile_context>

<pallas_src>
import jax
import jax.numpy as jnp
import numpy as np
from functools import partial
from jax import lax
from jax.experimental import pallas as pl

RATIO = 0.25
K = 32
LANES = 128


def _fps_body(px_ref, py_ref, pz_ref, b_ref, out_ref, *, n, n_samples, rows):
    flat = (lax.broadcasted_iota(jnp.int32, (rows, LANES), 0) * LANES
            + lax.broadcasted_iota(jnp.int32, (rows, LANES), 1))
    valid = flat < n
    px = px_ref[...]
    py = py_ref[...]
    pz = pz_ref[...]
    bt = b_ref[...]
    lane = lax.broadcasted_iota(jnp.int32, (1, LANES), 1)

    def compose(idx_i32, x, y, z, b_i32):
        idxf = lax.bitcast_convert_type(idx_i32, jnp.float32)
        bf = lax.bitcast_convert_type(b_i32, jnp.float32)
        return jnp.where(
            lane == 0, idxf,
            jnp.where(lane == 1, x,
                      jnp.where(lane == 2, y,
                                jnp.where(lane == 3, z,
                                          jnp.where(lane == 4, bf, 0.0)))))

    m0 = flat == 0
    lx = jnp.sum(jnp.where(m0, px, 0.0))
    ly = jnp.sum(jnp.where(m0, py, 0.0))
    lz = jnp.sum(jnp.where(m0, pz, 0.0))
    b0 = jnp.sum(jnp.where(m0, bt, 0))
    out_ref[0:1, :] = compose(jnp.int32(0), lx, ly, lz, b0)

    d_min0 = jnp.where(valid, jnp.float32(np.inf), jnp.float32(-np.inf))

    def body(i, carry):
        d_min, lx, ly, lz = carry
        d = ((px - lx) ** 2 + (pz - lz) ** 2) + (py - ly) ** 2
        d_min = jnp.minimum(d_min, d)
        m = jnp.max(d_min)
        nxt = jnp.min(jnp.where(d_min == m, flat, jnp.int32(2 ** 30)))
        mk = flat == nxt
        nx = jnp.sum(jnp.where(mk, px, 0.0))
        ny = jnp.sum(jnp.where(mk, py, 0.0))
        nz = jnp.sum(jnp.where(mk, pz, 0.0))
        nb = jnp.sum(jnp.where(mk, bt, 0))
        out_ref[pl.ds(i, 1), :] = compose(nxt, nx, ny, nz, nb)
        return d_min, nx, ny, nz

    lax.fori_loop(1, n_samples, body, (d_min0, lx, ly, lz))


def _fps_pallas(pos, batch, n_samples):
    n = pos.shape[0]
    rows = (n + LANES - 1) // LANES
    rows = ((rows + 7) // 8) * 8
    pn = rows * LANES
    pad = pn - n
    px = jnp.pad(pos[:, 0], (0, pad)).reshape(rows, LANES)
    py = jnp.pad(pos[:, 1], (0, pad)).reshape(rows, LANES)
    pz = jnp.pad(pos[:, 2], (0, pad)).reshape(rows, LANES)
    bt = jnp.pad(batch, (0, pad)).reshape(rows, LANES)
    out = pl.pallas_call(
        partial(_fps_body, n=n, n_samples=n_samples, rows=rows),
        out_shape=jax.ShapeDtypeStruct((n_samples, LANES), jnp.float32),
    )(px, py, pz, bt)
    idx = lax.bitcast_convert_type(out[:, 0], jnp.int32)
    q = out[:, 1:4]
    b_out = lax.bitcast_convert_type(out[:, 4], jnp.int32)
    return idx, q, b_out


def _res_mlp(h, w1, b1, w2, b2, ws, bs):
    out = jnp.maximum(h @ w1 + b1, 0.0) @ w2 + b2
    return out + (h @ ws + bs)


def _knn(pos, q, k, chunk=500):
    nq = q.shape[0]
    qc = q.reshape(-1, chunk, 3)
    p2 = jnp.sum(pos ** 2, axis=1)

    def f(qb):
        d = jnp.sum(qb ** 2, axis=1)[:, None] + p2[None, :] - 2.0 * (qb @ pos.T)
        _, nb = jax.lax.top_k(-d, k)
        return nb

    nb = jax.lax.map(f, qc).reshape(-1, k)[:nq]
    return nb.astype(jnp.int32)


def kernel(x, pos, batch, w1, b1, w2, b2, ws, bs):
    n = pos.shape[0]
    n_samples = int(np.ceil(RATIO * n))
    idx, q, b_out = _fps_pallas(pos, batch, n_samples)
    nbr = _knn(pos, q, K)
    row = jnp.repeat(jnp.arange(n_samples, dtype=jnp.int32), K)
    col = nbr.reshape(-1)
    h = jnp.concatenate([x[col], pos[col] - q[row]], axis=-1)
    msg = jnp.maximum(_res_mlp(h, w1, b1, w2, b2, ws, bs), 0.0)
    msg = jnp.where((col == row)[:, None], -jnp.inf, msg)
    i = jnp.arange(n_samples, dtype=jnp.int32)
    h_sl = jnp.concatenate([x[:n_samples], pos[:n_samples] - q], axis=-1)
    msg_sl = jnp.maximum(_res_mlp(h_sl, w1, b1, w2, b2, ws, bs), 0.0)
    out = jax.ops.segment_max(
        jnp.concatenate([msg, msg_sl], axis=0),
        jnp.concatenate([row, i], axis=0),
        num_segments=n_samples)
    return out, q, b_out

# --- scband reference (transcript-rebuilt; emitter-appended) ---
"""Pipeline reference for scband-sa-module-214748365416 (READ-ONLY COPY).

The authoritative reference and input builder live on the scoring server;
editing this copy changes nothing except your own understanding.
"""

import jax, jax.numpy as jnp
import numpy as np
from functools import partial

RATIO = 0.25
K = 32
IN_CH = 64
HID = 64
OUT = 64
N = 50000


def _res_mlp(h, w1, b1, w2, b2, ws, bs):
    out = jnp.maximum(h @ w1 + b1, 0.0) @ w2 + b2
    return out + (h @ ws + bs)


@partial(jax.jit, static_argnums=1)
def _fps(pos, n_samples):
    # farthest point sampling, deterministic start at index 0
    dists = jnp.sum((pos - pos[0]) ** 2, axis=1)
    samples = jnp.zeros((n_samples,), dtype=jnp.int32)

    def body(i, st):
        d_min, smp = st
        last = smp[i - 1]
        d = jnp.sum((pos - pos[last]) ** 2, axis=1)
        d_min = jnp.minimum(d_min, d)
        nxt = jnp.argmax(d_min).astype(jnp.int32)
        return d_min, smp.at[i].set(nxt)

    _, samples = jax.lax.fori_loop(1, n_samples, body, (dists, samples))
    return samples


def _knn(pos, q, k, chunk=500):
    # for each query in q, indices of k nearest points in pos (chunked to bound memory)
    nq = q.shape[0]
    pad = (-nq) % chunk
    if pad:
        q = jnp.concatenate([q, jnp.zeros((pad, 3), q.dtype)], axis=0)
    qc = q.reshape(-1, chunk, 3)
    p2 = jnp.sum(pos ** 2, axis=1)

    def f(qb):
        d = jnp.sum(qb ** 2, axis=1)[:, None] + p2[None, :] - 2.0 * (qb @ pos.T)
        _, nb = jax.lax.top_k(-d, k)
        return nb

    nb = jax.lax.map(f, qc).reshape(-1, k)[:nq]
    return nb.astype(jnp.int32)


def setup_inputs(seed: int = 0) -> dict:
    key = jax.random.key(seed)
    ks = jax.random.split(key, 8)
    mlp_in = IN_CH + 3
    x = jax.random.normal(ks[0], (N, IN_CH), dtype=jnp.float32)
    pos = jax.random.normal(ks[1], (N, 3), dtype=jnp.float32)
    batch = jnp.zeros((N,), dtype=jnp.int32)
    w1 = jax.random.normal(ks[2], (mlp_in, HID), dtype=jnp.float32) / np.sqrt(mlp_in)
    b1 = jnp.zeros((HID,), dtype=jnp.float32)
    w2 = jax.random.normal(ks[3], (HID, OUT), dtype=jnp.float32) / np.sqrt(HID)
    b2 = jnp.zeros((OUT,), dtype=jnp.float32)
    ws = jax.random.normal(ks[4], (mlp_in, OUT), dtype=jnp.float32) / np.sqrt(mlp_in)
    bs = jnp.zeros((OUT,), dtype=jnp.float32)
    return {"x": x, "pos": pos, "batch": batch, "w1": w1, "b1": b1,
            "w2": w2, "b2": b2, "ws": ws, "bs": bs}


def reference(x, pos, batch, w1, b1, w2, b2, ws, bs):
    n = pos.shape[0]
    n_samples = int(np.ceil(RATIO * n))
    idx = _fps(pos, n_samples)                      # fps(pos, batch, ratio)
    q = pos[idx]
    nbr = _knn(pos, q, K)                           # knn(pos, pos[idx], k)
    row = jnp.repeat(jnp.arange(n_samples, dtype=jnp.int32), K)  # dst (sampled idx space)
    col = nbr.reshape(-1)                           # src (full cloud idx space)
    # PointNetConv message: nn(cat([x_j, pos_j - pos_i])), nn = Sequential(ResMLP, ReLU)
    h = jnp.concatenate([x[col], pos[col] - q[row]], axis=-1)
    msg = jnp.maximum(_res_mlp(h, w1, b1, w2, b2, ws, bs), 0.0)
    # PyG PointNetConv add_self_loops=True: remove_self_loops then add_self_loops
    # with num_nodes = min(sizes) = n_samples.
    msg = jnp.where((col == row)[:, None], -jnp.inf, msg)
    i = jnp.arange(n_samples, dtype=jnp.int32)
    h_sl = jnp.concatenate([x[:n_samples], pos[:n_samples] - q], axis=-1)
    msg_sl = jnp.maximum(_res_mlp(h_sl, w1, b1, w2, b2, ws, bs), 0.0)
    out = jax.ops.segment_max(
        jnp.concatenate([msg, msg_sl], axis=0),
        jnp.concatenate([row, i], axis=0),
        num_segments=n_samples)                      # aggr='max'
    return out, q, batch[idx]

if __name__ == "__main__":
    import jax
    _d = setup_inputs()
    print(jax.jit(kernel)(*tuple(_d.values())))

</pallas_src>

<mosaic_0001>
module attributes {stable_mosaic.version = 14 : i64} {
  func.func @_fps_body(%arg0: memref<392x128xf32, #tpu.memory_space<vmem>>, %arg1: memref<392x128xf32, #tpu.memory_space<vmem>>, %arg2: memref<392x128xf32, #tpu.memory_space<vmem>>, %arg3: memref<392x128xi32, #tpu.memory_space<vmem>>, %arg4: memref<12500x128xf32, #tpu.memory_space<vmem>>) attributes {dimension_semantics = [], scalar_prefetch = 0 : i64, scratch_operands = 0 : i64, tpu.core_type = #tpu.core_type<tc>} {
    %iota3A = tpu.iota {dimensions = array<i32: 0>} : vector<392x128xi32>
    %mul3A = arith.constant 128 : i32
    %mul3A_0 = vector.broadcast %mul3A : i32 to vector<392x128xi32>
    %mul3A_1 = arith.muli %iota3A, %mul3A_0 : vector<392x128xi32>
    %iota3A_2 = tpu.iota {dimensions = array<i32: 1>} : vector<392x128xi32>
    %add3A = arith.addi %mul3A_1, %iota3A_2 : vector<392x128xi32>
    %lt3A = arith.constant 50000 : i32
    %lt3A_3 = vector.broadcast %lt3A : i32 to vector<392x128xi32>
    %lt3A_4 = arith.cmpi slt, %add3A, %lt3A_3 : vector<392x128xi32>
    %get3A = arith.constant 0 : index
    %get3A_5 = arith.constant 0 : index
    %get3A_6 = vector.load %arg0[%get3A, %get3A_5] : memref<392x128xf32, #tpu.memory_space<vmem>>, vector<392x128xf32>
    %get3A_7 = arith.constant 0 : index
    %get3A_8 = arith.constant 0 : index
    %get3A_9 = vector.load %arg1[%get3A_7, %get3A_8] : memref<392x128xf32, #tpu.memory_space<vmem>>, vector<392x128xf32>
    %get3A_10 = arith.constant 0 : index
    %get3A_11 = arith.constant 0 : index
    %get3A_12 = vector.load %arg2[%get3A_10, %get3A_11] : memref<392x128xf32, #tpu.memory_space<vmem>>, vector<392x128xf32>
    %get3A_13 = arith.constant 0 : index
    %get3A_14 = arith.constant 0 : index
    %get3A_15 = vector.load %arg3[%get3A_13, %get3A_14] : memref<392x128xi32, #tpu.memory_space<vmem>>, vector<392x128xi32>
    %iota3A_16 = tpu.iota {dimensions = array<i32: 1>} : vector<1x128xi32>
    %eq3A = arith.constant 0 : i32
    %eq3A_17 = vector.broadcast %eq3A : i32 to vector<392x128xi32>
    %eq3A_18 = arith.cmpi eq, %add3A, %eq3A_17 : vector<392x128xi32>
    %jit3A = arith.constant 0.000000e+00 : f32
    %broadcast_in_dim3A = vector.broadcast %jit3A : f32 to vector<392x128xf32>
    %select_n3A = arith.select %eq3A_18, %get3A_6, %broadcast_in_dim3A : vector<392x128xi1>, vector<392x128xf32>
    %reduce_sum3A = vector.shape_cast %select_n3A : vector<392x128xf32> to vector<1x392x128xf32>
    %reduce_sum3A_19 = arith.constant dense<0.000000e+00> : vector<1xf32>
    %reduce_sum3A_20 = vector.multi_reduction <add>, %reduce_sum3A, %reduce_sum3A_19 [1, 2] : vector<1x392x128xf32> to vector<1xf32>
    %reduce_sum3A_21 = vector.shape_cast %reduce_sum3A_20 : vector<1xf32> to vector<1x1x1xf32>
    %reduce_sum3A_22 = vector.extract %reduce_sum3A_21[0, 0, 0] : f32 from vector<1x1x1xf32>
    %jit3A_23 = arith.constant 0.000000e+00 : f32
    %broadcast_in_dim3A_24 = vector.broadcast %jit3A_23 : f32 to vector<392x128xf32>
    %select_n3A_25 = arith.select %eq3A_18, %get3A_9, %broadcast_in_dim3A_24 : vector<392x128xi1>, vector<392x128xf32>
    %reduce_sum3A_26 = vector.shape_cast %select_n3A_25 : vector<392x128xf32> to vector<1x392x128xf32>
    %reduce_sum3A_27 = arith.constant dense<0.000000e+00> : vector<1xf32>
    %reduce_sum3A_28 = vector.multi_reduction <add>, %reduce_sum3A_26, %reduce_sum3A_27 [1, 2] : vector<1x392x128xf32> to vector<1xf32>
    %reduce_sum3A_29 = vector.shape_cast %reduce_sum3A_28 : vector<1xf32> to vector<1x1x1xf32>
    %reduce_sum3A_30 = vector.extract %reduce_sum3A_29[0, 0, 0] : f32 from vector<1x1x1xf32>
    %jit3A_31 = arith.constant 0.000000e+00 : f32
    %broadcast_in_dim3A_32 = vector.broadcast %jit3A_31 : f32 to vector<392x128xf32>
    %select_n3A_33 = arith.select %eq3A_18, %get3A_12, %broadcast_in_dim3A_32 : vector<392x128xi1>, vector<392x128xf32>
    %reduce_sum3A_34 = vector.shape_cast %select_n3A_33 : vector<392x128xf32> to vector<1x392x128xf32>
    %reduce_sum3A_35 = arith.constant dense<0.000000e+00> : vector<1xf32>
    %reduce_sum3A_36 = vector.multi_reduction <add>, %reduce_sum3A_34, %reduce_sum3A_35 [1, 2] : vector<1x392x128xf32> to vector<1xf32>
    %reduce_sum3A_37 = vector.shape_cast %reduce_sum3A_36 : vector<1xf32> to vector<1x1x1xf32>
    %reduce_sum3A_38 = vector.extract %reduce_sum3A_37[0, 0, 0] : f32 from vector<1x1x1xf32>
    %jit3A_39 = arith.constant 0 : i32
    %broadcast_in_dim3A_40 = vector.broadcast %jit3A_39 : i32 to vector<392x128xi32>
    %select_n3A_41 = arith.select %eq3A_18, %get3A_15, %broadcast_in_dim3A_40 : vector<392x128xi1>, vector<392x128xi32>
    %reduce_sum3A_42 = vector.shape_cast %select_n3A_41 : vector<392x128xi32> to vector<1x392x128xi32>
    %reduce_sum3A_43 = arith.constant dense<0> : vector<1xi32>
    %reduce_sum3A_44 = vector.multi_reduction <add>, %reduce_sum3A_42, %reduce_sum3A_43 [1, 2] : vector<1x392x128xi32> to vector<1xi32>
    %reduce_sum3A_45 = vector.shape_cast %reduce_sum3A_44 : vector<1xi32> to vector<1x1x1xi32>
    %reduce_sum3A_46 = vector.extract %reduce_sum3A_45[0, 0, 0] : i32 from vector<1x1x1xi32>
    %bitcast_convert_type3A = arith.constant 0 : i32
    %bitcast_convert_type3A_47 = arith.bitcast %bitcast_convert_type3A : i32 to f32
    %bitcast_convert_type3A_48 = arith.bitcast %reduce_sum3A_46 : i32 to f32
    %eq3A_49 = arith.constant 0 : i32
    %eq3A_50 = vector.broadcast %eq3A_49 : i32 to vector<1x128xi32>
    %eq3A_51 = arith.cmpi eq, %iota3A_16, %eq3A_50 : vector<1x128xi32>
    %eq3A_52 = arith.constant 1 : i32
    %eq3A_53 = vector.broadcast %eq3A_52 : i32 to vector<1x128xi32>
    %eq3A_54 = arith.cmpi eq, %iota3A_16, %eq3A_53 : vector<1x128xi32>
    %eq3A_55 = arith.constant 2 : i32
    %eq3A_56 = vector.broadcast %eq3A_55 : i32 to vector<1x128xi32>
    %eq3A_57 = arith.cmpi eq, %iota3A_16, %eq3A_56 : vector<1x128xi32>
    %eq3A_58 = arith.constant 3 : i32
    %eq3A_59 = vector.broadcast %eq3A_58 : i32 to vector<1x128xi32>
    %eq3A_60 = arith.cmpi eq, %iota3A_16, %eq3A_59 : vector<1x128xi32>
    %eq3A_61 = arith.constant 4 : i32
    %eq3A_62 = vector.broadcast %eq3A_61 : i32 to vector<1x128xi32>
    %eq3A_63 = arith.cmpi eq, %iota3A_16, %eq3A_62 : vector<1x128xi32>
    %jit3A_64 = arith.constant 0.000000e+00 : f32
    %broadcast_in_dim3A_65 = vector.broadcast %bitcast_convert_type3A_48 : f32 to vector<1x128xf32>
    %broadcast_in_dim3A_66 = vector.broadcast %jit3A_64 : f32 to vector<1x128xf32>
    %select_n3A_67 = arith.select %eq3A_63, %broadcast_in_dim3A_65, %broadcast_in_dim3A_66 : vector<1x128xi1>, vector<1x128xf32>
    %broadcast_in_dim3A_68 = vector.broadcast %reduce_sum3A_38 : f32 to vector<1x128xf32>
    %select_n3A_69 = arith.select %eq3A_60, %broadcast_in_dim3A_68, %select_n3A_67 : vector<1x128xi1>, vector<1x128xf32>
    %broadcast_in_dim3A_70 = vector.broadcast %reduce_sum3A_30 : f32 to vector<1x128xf32>
    %select_n3A_71 = arith.select %eq3A_57, %broadcast_in_dim3A_70, %select_n3A_69 : vector<1x128xi1>, vector<1x128xf32>
    %broadcast_in_dim3A_72 = vector.broadcast %reduce_sum3A_22 : f32 to vector<1x128xf32>
    %select_n3A_73 = arith.select %eq3A_54, %broadcast_in_dim3A_72, %select_n3A_71 : vector<1x128xi1>, vector<1x128xf32>
    %broadcast_in_dim3A_74 = vector.broadcast %bitcast_convert_type3A_47 : f32 to vector<1x128xf32>
    %select_n3A_75 = arith.select %eq3A_51, %broadcast_in_dim3A_74, %select_n3A_73 : vector<1x128xi1>, vector<1x128xf32>
    %swap3A = arith.constant 0 : index
    %swap3A_76 = arith.constant 0 : index
    %swap3A_77 = vector.load %arg4[%swap3A, %swap3A_76] : memref<12500x128xf32, #tpu.memory_space<vmem>>, vector<1x128xf32>
    tpu.vector_store %arg4[%swap3A, %swap3A_76], %select_n3A_75 {strides = array<i32>} : memref<12500x128xf32, #tpu.memory_space<vmem>>, vector<1x128xf32>,
    %jit3A_78 = arith.constant 0x7F800000 : f32
    %jit3A_79 = arith.constant 0xFF800000 : f32
    %broadcast_in_dim3A_80 = vector.broadcast %jit3A_78 : f32 to vector<392x128xf32>
    %broadcast_in_dim3A_81 = vector.broadcast %jit3A_79 : f32 to vector<392x128xf32>
    %select_n3A_82 = arith.select %lt3A_4, %broadcast_in_dim3A_80, %broadcast_in_dim3A_81 : vector<392x128xi1>, vector<392x128xf32>
    %scan3A = arith.constant 1 : i32
    %scan3A_83 = arith.constant 12499 : i32
    %scan3A_84 = arith.addi %scan3A, %scan3A_83 : i32
    %scan3A_85 = arith.constant 1 : i32
    %scan3A_86:4 = scf.for %scan3A_88 = %scan3A to %scan3A_84 step %scan3A_85 iter_args(%scan3A_89 = %select_n3A_82, %scan3A_90 = %reduce_sum3A_22, %scan3A_91 = %reduce_sum3A_30, %scan3A_92 = %reduce_sum3A_38) -> (vector<392x128xf32>, f32, f32, f32)  : i32 {
      %sub3A = vector.broadcast %scan3A_90 : f32 to vector<392x128xf32>
      %sub3A_93 = arith.subf %get3A_6, %sub3A : vector<392x128xf32>
      %integer_pow3A = arith.mulf %sub3A_93, %sub3A_93 : vector<392x128xf32>
      %sub3A_94 = vector.broadcast %scan3A_92 : f32 to vector<392x128xf32>
      %sub3A_95 = arith.subf %get3A_12, %sub3A_94 : vector<392x128xf32>
      %integer_pow3A_96 = arith.mulf %sub3A_95, %sub3A_95 : vector<392x128xf32>
      %add3A_97 = arith.addf %integer_pow3A, %integer_pow3A_96 : vector<392x128xf32>
      %sub3A_98 = vector.broadcast %scan3A_91 : f32 to vector<392x128xf32>
      %sub3A_99 = arith.subf %get3A_9, %sub3A_98 : vector<392x128xf32>
      %integer_pow3A_100 = arith.mulf %sub3A_99, %sub3A_99 : vector<392x128xf32>
      %add3A_101 = arith.addf %add3A_97, %integer_pow3A_100 : vector<392x128xf32>
      %min3A = arith.minimumf %scan3A_89, %add3A_101 : vector<392x128xf32>
      %reduce_max3A = vector.shape_cast %min3A : vector<392x128xf32> to vector<1x392x128xf32>
      %reduce_max3A_102 = arith.constant dense<0xFF800000> : vector<1xf32>
      %reduce_max3A_103 = vector.multi_reduction <maximumf>, %reduce_max3A, %reduce_max3A_102 [1, 2] : vector<1x392x128xf32> to vector<1xf32>
      %reduce_max3A_104 = vector.shape_cast %reduce_max3A_103 : vector<1xf32> to vector<1x1x1xf32>
      %reduce_max3A_105 = vector.extract %reduce_max3A_104[0, 0, 0] : f32 from vector<1x1x1xf32>
      %eq3A_106 = vector.broadcast %reduce_max3A_105 : f32 to vector<392x128xf32>
      %eq3A_107 = arith.cmpf oeq, %min3A, %eq3A_106 : vector<392x128xf32>
      %jit3A_108 = arith.constant 1073741824 : i32
      %broadcast_in_dim3A_109 = vector.broadcast %jit3A_108 : i32 to vector<392x128xi32>
      %select_n3A_110 = arith.select %eq3A_107, %add3A, %broadcast_in_dim3A_109 : vector<392x128xi1>, vector<392x128xi32>
      %reduce_min3A = vector.shape_cast %select_n3A_110 : vector<392x128xi32> to vector<1x392x128xi32>
      %reduce_min3A_111 = arith.constant dense<2147483647> : vector<1xi32>
      %reduce_min3A_112 = vector.multi_reduction <minsi>, %reduce_min3A, %reduce_min3A_111 [1, 2] : vector<1x392x128xi32> to vector<1xi32>
      %reduce_min3A_113 = vector.shape_cast %reduce_min3A_112 : vector<1xi32> to vector<1x1x1xi32>
      %reduce_min3A_114 = vector.extract %reduce_min3A_113[0, 0, 0] : i32 from vector<1x1x1xi32>
      %eq3A_115 = vector.broadcast %reduce_min3A_114 : i32 to vector<392x128xi32>
      %eq3A_116 = arith.cmpi eq, %add3A, %eq3A_115 : vector<392x128xi32>
      %jit3A_117 = arith.constant 0.000000e+00 : f32
      %broadcast_in_dim3A_118 = vector.broadcast %jit3A_117 : f32 to vector<392x128xf32>
      %select_n3A_119 = arith.select %eq3A_116, %get3A_6, %broadcast_in_dim3A_118 : vector<392x128xi1>, vector<392x128xf32>
      %reduce_sum3A_120 = vector.shape_cast %select_n3A_119 : vector<392x128xf32> to vector<1x392x128xf32>
      %reduce_sum3A_121 = arith.constant dense<0.000000e+00> : vector<1xf32>
      %reduce_sum3A_122 = vector.multi_reduction <add>, %reduce_sum3A_120, %reduce_sum3A_121 [1, 2] : vector<1x392x128xf32> to vector<1xf32>
      %reduce_sum3A_123 = vector.shape_cast %reduce_sum3A_122 : vector<1xf32> to vector<1x1x1xf32>
      %reduce_sum3A_124 = vector.extract %reduce_sum3A_123[0, 0, 0] : f32 from vector<1x1x1xf32>
      %jit3A_125 = arith.constant 0.000000e+00 : f32
      %broadcast_in_dim3A_126 = vector.broadcast %jit3A_125 : f32 to vector<392x128xf32>
      %select_n3A_127 = arith.select %eq3A_116, %get3A_9, %broadcast_in_dim3A_126 : vector<392x128xi1>, vector<392x128xf32>
      %reduce_sum3A_128 = vector.shape_cast %select_n3A_127 : vector<392x128xf32> to vector<1x392x128xf32>
      %reduce_sum3A_129 = arith.constant dense<0.000000e+00> : vector<1xf32>
      %reduce_sum3A_130 = vector.multi_reduction <add>, %reduce_sum3A_128, %reduce_sum3A_129 [1, 2] : vector<1x392x128xf32> to vector<1xf32>
      %reduce_sum3A_131 = vector.shape_cast %reduce_sum3A_130 : vector<1xf32> to vector<1x1x1xf32>
      %reduce_sum3A_132 = vector.extract %reduce_sum3A_131[0, 0, 0] : f32 from vector<1x1x1xf32>
      %jit3A_133 = arith.constant 0.000000e+00 : f32
      %broadcast_in_dim3A_134 = vector.broadcast %jit3A_133 : f32 to vector<392x128xf32>
      %select_n3A_135 = arith.select %eq3A_116, %get3A_12, %broadcast_in_dim3A_134 : vector<392x128xi1>, vector<392x128xf32>
      %reduce_sum3A_136 = vector.shape_cast %select_n3A_135 : vector<392x128xf32> to vector<1x392x128xf32>
      %reduce_sum3A_137 = arith.constant dense<0.000000e+00> : vector<1xf32>
      %reduce_sum3A_138 = vector.multi_reduction <add>, %reduce_sum3A_136, %reduce_sum3A_137 [1, 2] : vector<1x392x128xf32> to vector<1xf32>
      %reduce_sum3A_139 = vector.shape_cast %reduce_sum3A_138 : vector<1xf32> to vector<1x1x1xf32>
      %reduce_sum3A_140 = vector.extract %reduce_sum3A_139[0, 0, 0] : f32 from vector<1x1x1xf32>
      %jit3A_141 = arith.constant 0 : i32
      %broadcast_in_dim3A_142 = vector.broadcast %jit3A_141 : i32 to vector<392x128xi32>
      %select_n3A_143 = arith.select %eq3A_116, %get3A_15, %broadcast_in_dim3A_142 : vector<392x128xi1>, vector<392x128xi32>
      %reduce_sum3A_144 = vector.shape_cast %select_n3A_143 : vector<392x128xi32> to vector<1x392x128xi32>
      %reduce_sum3A_145 = arith.constant dense<0> : vector<1xi32>
      %reduce_sum3A_146 = vector.multi_reduction <add>, %reduce_sum3A_144, %reduce_sum3A_145 [1, 2] : vector<1x392x128xi32> to vector<1xi32>
      %reduce_sum3A_147 = vector.shape_cast %reduce_sum3A_146 : vector<1xi32> to vector<1x1x1xi32>
      %reduce_sum3A_148 = vector.extract %reduce_sum3A_147[0, 0, 0] : i32 from vector<1x1x1xi32>
      %bitcast_convert_type3A_149 = arith.bitcast %reduce_min3A_114 : i32 to f32
      %bitcast_convert_type3A_150 = arith.bitcast %reduce_sum3A_148 : i32 to f32
      %eq3A_151 = arith.constant 0 : i32
      %eq3A_152 = vector.broadcast %eq3A_151 : i32 to vector<1x128xi32>
      %eq3A_153 = arith.cmpi eq, %iota3A_16, %eq3A_152 : vector<1x128xi32>
      %eq3A_154 = arith.constant 1 : i32
      %eq3A_155 = vector.broadcast %eq3A_154 : i32 to vector<1x128xi32>
      %eq3A_156 = arith.cmpi eq, %iota3A_16, %eq3A_155 : vector<1x128xi32>
      %eq3A_157 = arith.constant 2 : i32
      %eq3A_158 = vector.broadcast %eq3A_157 : i32 to vector<1x128xi32>
      %eq3A_159 = arith.cmpi eq, %iota3A_16, %eq3A_158 : vector<1x128xi32>
      %eq3A_160 = arith.constant 3 : i32
      %eq3A_161 = vector.broadcast %eq3A_160 : i32 to vector<1x128xi32>
      %eq3A_162 = arith.cmpi eq, %iota3A_16, %eq3A_161 : vector<1x128xi32>
      %eq3A_163 = arith.constant 4 : i32
      %eq3A_164 = vector.broadcast %eq3A_163 : i32 to vector<1x128xi32>
      %eq3A_165 = arith.cmpi eq, %iota3A_16, %eq3A_164 : vector<1x128xi32>
      %jit3A_166 = arith.constant 0.000000e+00 : f32
      %broadcast_in_dim3A_167 = vector.broadcast %bitcast_convert_type3A_150 : f32 to vector<1x128xf32>
      %broadcast_in_dim3A_168 = vector.broadcast %jit3A_166 : f32 to vector<1x128xf32>
      %select_n3A_169 = arith.select %eq3A_165, %broadcast_in_dim3A_167, %broadcast_in_dim3A_168 : vector<1x128xi1>, vector<1x128xf32>
      %broadcast_in_dim3A_170 = vector.broadcast %reduce_sum3A_140 : f32 to vector<1x128xf32>
      %select_n3A_171 = arith.select %eq3A_162, %broadcast_in_dim3A_170, %select_n3A_169 : vector<1x128xi1>, vector<1x128xf32>
      %broadcast_in_dim3A_172 = vector.broadcast %reduce_sum3A_132 : f32 to vector<1x128xf32>
      %select_n3A_173 = arith.select %eq3A_159, %broadcast_in_dim3A_172, %select_n3A_171 : vector<1x128xi1>, vector<1x128xf32>
      %broadcast_in_dim3A_174 = vector.broadcast %reduce_sum3A_124 : f32 to vector<1x128xf32>
      %select_n3A_175 = arith.select %eq3A_156, %broadcast_in_dim3A_174, %select_n3A_173 : vector<1x128xi1>, vector<1x128xf32>
      %broadcast_in_dim3A_176 = vector.broadcast %bitcast_convert_type3A_149 : f32 to vector<1x128xf32>
      %select_n3A_177 = arith.select %eq3A_153, %broadcast_in_dim3A_176, %select_n3A_175 : vector<1x128xi1>, vector<1x128xf32>
      %swap3A_178 = arith.index_cast %scan3A_88 : i32 to index
      %swap3A_179 = arith.constant 0 : index
      %swap3A_180 = vector.load %arg4[%swap3A_178, %swap3A_179] : memref<12500x128xf32, #tpu.memory_space<vmem>>, vector<1x128xf32>
      tpu.vector_store %arg4[%swap3A_178, %swap3A_179], %select_n3A_177 {strides = array<i32>} : memref<12500x128xf32, #tpu.memory_space<vmem>>, vector<1x128xf32>,
      scf.yield %min3A, %reduce_sum3A_124, %reduce_sum3A_132, %reduce_sum3A_140 : vector<392x128xf32>, f32, f32, f32
    }
    %scan3A_87 = arith.constant 12499 : i32
    return
  }
}

</mosaic_0001>

<sc_bundles>
// kernel: scatter_offload_async_start
scs
__scs_entry_jumppad:
0x0: {  	(pc) =	sbr.rel $0x88, $3  }
0x1: {  	(tag) =	ssettag $0x0;
	lr =	simm.s32 $0x1  }
0x2: {  	[smem:$0x3F98] =	sst lr;
	_ =	strace $0xD0000000  }
0x3: {  	_ = 	snop  }
0x4: {  	_ = 	snop  }
0x5: {  	_ = 	snop  }
0x6: {  	_ = 	snop  }
0x7: {  	_ = 	snop  }
__scs_overlays_trampoline_lowered:
0x8: {  	[smem:$0x3FA7] =	sst s0  }
0x9: {  	[smem:$0x3FA8] =	sst s1  }
0xa: {  	[smem:$0x3FA9] =	sst s2  }
0xb: {  	[smem:$0x3FAA] =	sst s3  }
0xc: {  	[smem:$0x3FAB] =	sst s4  }
0xd: {  	[smem:$0x3FAC] =	sst s5  }
0xe: {  	[smem:$0x3FAD] =	sst s6  }
0xf: {  	[smem:$0x3FAE] =	sst s7  }
0x10: {  	[smem:$0x3FAF] =	sst s8  }
0x11: {  	[smem:$0x3FB0] =	sst s9;
	s0 =	simm.s32 @!p0 $0x0  }
0x12: {  	s1 =	sld [smem:$0x3F96];
	s0 =	simm.s32 @p0 $0x1  }
0x13: {  	[smem:$0x3FB1] =	sst s0;
	s0 =	simm.s32 @!p1 $0x0  }
0x14: {  	s2 =	sld [smem:$0x3F95];
	s0 =	simm.s32 @p1 $0x1  }
0x15: {  	[smem:$0x3FB2] =	sst s0;
	s0 =	simm.s32 @!p2 $0x0  }
0x16: {  	s3 =	sld [smem:$0x3FDB];
	s0 =	simm.s32 @p2 $0x1  }
0x17: {  	s4 =	simm.s32 $0x1BF5;
	[smem:$0x3FB4] =	sst s0  }
0x18: {  	s0 =	sld [smem:$0x3F97];
	_ =	swait.ge [sflag:s4], $0x0  }
0x19: {  	s7 =	sld [smem:$0x3F98]  }
0x1a: {  	s8 =	sadd.s32 $0xFFFFE003, lr  }
0x1b: {  	s9 =	sadd.s32 $0xFFFFFEF7, lr;
	s5 =	simm.s32 $0xFFFFFFFF;
	p2 =	slt.u32 s8, $0xFFFFF086  }
0x1c: {  	p1 =	slt.u32 s9, $0xF7A;
	s5 =	simm.s32 @!p2 $0x0  }
0x1d: {  	s5 =	simm.s32 @p1 $0x1;
	p0 =	seq.s32 s7, s2  }
0x1e: {  	s7 =	smul.u32 @!p0 $0xF7A, s2;
	p2 =	seq.s32 @!p0 s5, $0x0  }
0x1f: {  	s9 =	smul.u32 $0xF7A, s1;
	s8 =	simm.s32 @!p0 $0x1BF5;
	p2 =	por !p2, p0  }
0x20: {  	[sflag:s8] =	ssyncset.s32 @!p0 $0xFFFFF086;
	s6 =	sadd.s32 @!p0 s3, s7;
	s7 =	simm.s32 @!p0 $0x108  }
0x21: {  	s3 =	sadd.s32 s3, s9;
	s6 =	sadd.s32 @!p0 $0x88, s6;
	s7 =	simm.s32 @p2 $0x1082  }
0x22: {  	[simem:s7], [sflag:s8] =	dma.local @!p0 [hbm:s6], $0xF7A  }
0x23: {  	s9 =	sor.u32 $0xD0000000, s2;
	s6 =	simm.s32 $0x108;
	_ =	swait.ge @!p0 [sflag:s8], $0x0  }
0x24: {  	s3 =	sadd.s32 $0x88, s3;
	s6 =	simm.s32 @!p1 $0x1082;
	[sflag:s4] =	ssyncset.s32 $0xFFFFF086  }
0x25: {  	[simem:s6], [sflag:s4] =	dma.local [hbm:s3], $0xF7A  }
0x26: {  	[smem:$0x3F98] =	sst s1;
	(tag) =	ssettag s2;
	_ =	strace s9  }
0x27: {  	s1 =	sld [smem:$0x3FA8]  }
0x28: {  	s2 =	sld [smem:$0x3FA9]  }
0x29: {  	s4 =	sld [smem:$0x3FAB]  }
0x2a: {  	p0 =	seq.s32 s5, $0x0;
	s5 =	sld [smem:$0x3FAC]  }
0x2b: {  	s6 =	sld [smem:$0x3FAD]  }
0x2c: {  	s7 =	sld [smem:$0x3FAE]  }
0x2d: {  	s3 =	simm.s32 $0x108;
	s8 =	sld [smem:$0x3FAF]  }
0x2e: {  	s3 =	simm.s32 @!p0 $0x1082;
	s9 =	sld [smem:$0x3FB0]  }
0x2f: {  	lr =	sadd.s32 s0, s3;
	s0 =	sld [smem:$0x3FA7]  }
0x30: {  	s3 =	sld [smem:$0x3FAA]  }
0x31: {  	[smem:$0x3FB3] =	sst s10  }
0x32: {  	s10 =	sld [smem:$0x3FB1];
	_ =	sdelay $0x3  }
0x33: {  	p0 =	seq.s32 s10, $0x1;
	s10 =	sld [smem:$0x3FB3];
	_ =	sdelay $0x3  }
0x34: {  	[smem:$0x3FB3] =	sst s10  }
0x35: {  	s10 =	sld [smem:$0x3FB2];
	_ =	sdelay $0x3  }
0x36: {  	p1 =	seq.s32 s10, $0x1;
	s10 =	sld [smem:$0x3FB3];
	_ =	sdelay $0x3  }
0x37: {  	[smem:$0x3FB3] =	sst s10  }
0x38: {  	s10 =	sld [smem:$0x3FB4]  }
0x39: {  	_ = 	snop;
	(pc) =	sbr.ind lr, $3  }
0x3a: {  	_ = 	snop  }
0x3b: {  	_ = 	snop  }
0x3c: {  	p2 =	seq.s32 s10, $0x1;
	s10 =	sld [smem:$0x3FB3]  }
0x3d: {  	_ =	shalt  }
0x3e: {  	_ =	shalt  }
0x3f: {  	_ =	shalt  }
0x40: {  	_ =	shalt  }
0x41: {  	_ =	shalt  }
0x42: {  	_ =	shalt  }
0x43: {  	_ =	shalt  }
0x44: {  	_ =	shalt  }
0x45: {  	_ =	shalt  }
0x46: {  	_ =	shalt  }
0x47: {  	_ =	shalt  }
0x48: {  	_ =	shalt  }
0x49: {  	_ =	shalt  }
0x4a: {  	_ =	shalt  }
0x4b: {  	_ =	shalt  }
0x4c: {  	_ =	shalt  }
0x4d: {  	_ =	shalt  }
0x4e: {  	_ =	shalt  }
0x4f: {  	_ =	shalt  }
0x50: {  	_ =	shalt  }
0x51: {  	_ =	shalt  }
0x52: {  	_ =	shalt  }
0x53: {  	_ =	shalt  }
0x54: {  	_ =	shalt  }
0x55: {  	_ =	shalt  }
0x56: {  	_ =	shalt  }
0x57: {  	_ =	shalt  }
0x58: {  	_ =	shalt  }
0x59: {  	_ =	shalt  }
0x5a: {  	_ =	shalt  }
0x5b: {  	_ =	shalt  }
0x5c: {  	_ =	shalt  }
0x5d: {  	_ =	shalt  }
0x5e: {  	_ =	shalt  }
0x5f: {  	_ =	shalt  }
0x60: {  	_ =	shalt  }
0x61: {  	_ =	shalt  }
0x62: {  	_ =	shalt  }
0x63: {  	_ =	shalt  }
0x64: {  	_ =	shalt  }
0x65: {  	_ =	shalt  }
0x66: {  	_ =	shalt  }
0x67: {  	_ =	shalt  }
0x68: {  	_ =	shalt  }
0x69: {  	_ =	shalt  }
0x6a: {  	_ =	shalt  }
0x6b: {  	_ =	shalt  }
0x6c: {  	_ =	shalt  }
0x6d: {  	_ =	shalt  }
0x6e: {  	_ =	shalt  }
0x6f: {  	_ =	shalt  }
0x70: {  	_ =	shalt  }
0x71: {  	_ =	shalt  }
0x72: {  	_ =	shalt  }
0x73: {  	_ =	shalt  }
0x74: {  	_ =	shalt  }
0x75: {  	_ =	shalt  }
0x76: {  	_ =	shalt  }
0x77: {  	_ =	shalt  }
0x78: {  	_ =	shalt  }
0x79: {  	_ =	shalt  }
0x7a: {  	_ =	shalt  }
0x7b: {  	_ =	shalt  }
0x7c: {  	_ =	shalt  }
0x7d: {  	_ =	shalt  }
0x7e: {  	_ =	shalt  }
0x7f: {  	_ =	shalt  }
0x80: {  	_ =	shalt  }
0x81: {  	_ =	shalt  }
0x82: {  	_ =	shalt  }
0x83: {  	_ =	shalt  }
0x84: {  	_ =	shalt  }
0x85: {  	_ =	shalt  }
0x86: {  	_ =	shalt  }
0x87: {  	_ =	shalt  }
.Lfunc_end0:
.L_simem_size_0:
called_computation_lowered:
.L_overlay_start_0:
0x88: {  	s0 =	sld [smem:$0x3FD9]  }
0x89: {  	s1 =	sld [smem:$0x3FFE];
	_ =	sdelay $0x3  }
0x8a: {  	s0 =	sadd.s32 s1, s0  }
0x8b: {  	[smem:$0x3FBF] =	sst s0  }
0x8c: {  	_ = 	snop  }
0x8d: {  	s0 =	sld [smem:$0x3FD0];
	_ =	sdelay $0x2  }
0x8e: {  	s13 =	simm.s32 $0xA;
	s2 =	simm.s32 $0x10  }
0x8f: {  	[smem:s2], [sflag:s13] =	dma.local [hbm:s0], $0x1  }
0x90: {  	_ =	swait.eq [sflag:s13], $0x1  }
0x91: {  	[sflag:s13] =	ssyncset.done $0x0  }
0x92: {  	[sflag:s13] =	ssyncadd.s32 $0xFFFFFFFF  }
0x93: {  	s14 =	sld [smem:$0x10];
	(tm) =	ssettm $0x1  }
0x94: {  	s15 =	sld [smem:$0x3FFB];
	_ =	sdelay $0x3  }
0x95: {  	_ =	strace s15  }
0x96: {  	s1 =	sld [smem:$0x3FFC];
	_ =	sdelay $0x3  }
0x97: {  	_ =	strace s1  }
0x98: {  	s1 =	sld [smem:$0x3FFD];
	_ =	sdelay $0x3  }
0x99: {  	_ =	strace s1  }
0x9a: {  	_ =	strace $0x8FFFFFFF  }
0x9b: {  	s16 =	sld [smem:$0x3FDB];
	_ =	sdelay $0x1  }
0x9c: {  	s17 =	simm.s32 $_scs_section_size  }
0x9d: {  	s3 =	simm.s32 $_size__tile_overlayer_lowered;
	s4 =	simm.s32 $_tile_overlayer_lowered  }
0x9e: {  	s20 =	simm.s32 $0x1BFF;
	s19 =	sshll.u32 s4, $0x1;
	s1 =	sadd.s32 s17, s16  }
0x9f: {  	s5 =	simm.s32 $0x0;
	s18 =	sshll.u32 s3, $0x1;
	s3 =	sadd.s32 s19, s1  }
0xa0: {  	[timem:s5], [sflag:s20] =	dma.local [hbm:s3], s18  }
0xa1: {  	_ =	swait.ge [sflag:s20], s18  }
0xa2: {  	s2 =	ssub.s32 $0x0, s18;
	[sflag:s20] =	ssyncset.done $0x0  }
0xa3: {  	[sflag:s20] =	ssyncadd.s32 s2;
	_ =	sdelay $0x1  }
0xa4: {  	s21 =	simm.s32 $0x1B8B  }
0xa5: {  	_ =	swait.ge [sflag:s21], $0x1  }
0xa6: {  	[sflag:s21] =	ssyncset.done $0x0  }
0xa7: {  	s23 =	simm.s32 $0x1B8E;
	s22 =	sld [smem:$0x3FFE];
	[sflag:s21] =	ssyncadd.s32 $0xFFFFFFFF  }
0xa8: {  	s24 =	simm.s32 $execute0_lowered;
	[smem:$0x3FD2] =	sst s23  }
0xa9: {  	s3 =	sshll.u32 s24, $0x1;
	_ =	strace $0x80000049;
	[dreg:$0x1] =	wrdreg $0xFFFFFFFF  }
0xaa: {  	s25 =	simm.s32 $_size_execute0_lowered;
	s1 =	sadd.s32 s1, s3;
	[dreg:$0x0] =	wrdreg $0x0  }
0xab: {  	s3 =	sshll.u32 s25, $0x1;
	[dreg:$0x2] =	wrdreg s1  }
0xac: {  	[dreg:$0x3] =	wrdreg s3  }
0xad: {  	[dreg:$0x4] =	wrdreg $0xC0  }
0xae: {  	_ =	task [dreg:s5], $0x5FFFF  }
0xaf: {  	[dreg:$0x1] =	wrdreg $0xFFFFFFFF  }
0xb0: {  	[dreg:$0x0] =	wrdreg $0x60  }
0xb1: {  	[dreg:$0x2] =	wrdreg s22  }
0xb2: {  	[dreg:$0x3] =	wrdreg s14  }
0xb3: {  	[dreg:$0x4] =	wrdreg $0x9  }
0xb4: {  	_ =	task.clear_ibuf [dreg:s5], $0x5FFFF;
	_ =	strace $0x90000049  }
0xb5: {  	s26 =	simm.s32 $0x9;
	_ =	strace $0x8000004B  }
0xb6: {  	_ =	swait.ge [sflag:s26], $0x1  }
0xb7: {  	[sflag:s26] =	ssyncadd.s32 $0xFFFFFFFF  }
0xb8: {  	_ =	strace $0x9000004B  }
0xb9: {  	_ =	sfence  }
0xba: {  	s28 =	sld [smem:$0x0];
	_ =	sdelay $0x1  }
0xbb: {  	s29 =	srdreg.scid  }
0xbc: {  	s30 =	sshll.u32 s29, $0xD;
	s31 =	sshrl.u32 s29, $0x2  }
0xbd: {  	s2 =	sand.u32 $0x4000, s30;
	s1 =	sand.u32 $0x1, s29;
	s0 =	sadd.s32 s31, s28  }
0xbe: {  	s1 =	sor.u32 s2, s1;
	s0 =	sshll.u32 s0, $0x11  }
0xbf: {  	s0 =	sor.u32 s0, s1  }
0xc0: {  	s0 =	sadd.s32 $0x8F2B, s0  }
0xc1: {  	[sflag:s0] =	ssyncadd.remote.s32 $0x1  }
0xc2: {  	_ =	sfence.sel $0xFFFF  }
0xc3: {  	[dreg:$0x0] =	wrdreg $0xFFFFFFFF;
	(pc) =	sbr.abs _section_cstart, $3  }
0xc4: {  	[dreg:$0x1] =	wrdreg $0xFFFFFFFF  }
0xc5: {  	_ =	task.clear_ibuf [dreg:s5], $0x2FFFF;
	_ =	strace $0x9FFFFFFF  }
0xc6: {  	(tm) =	ssettm $0x7FFFFFFF  }
0xc7: {  	_ =	shalt  }
tec
execute0_lowered:
.L_overlay_start_1:
0x0: {  	(tag) =	ssettag $0x1  }
0x1: {  	s31 =	rddreg [dreg:$0x0];
	_ =	strace $0x8000004A;
	s0 =	simm.s32 $0x1  }
0x2: {  	s8 =	simm.s32 $0x88;
	v0 =	vimm.s32 $0x0;
	[sflag:s0] =	ssyncpa.u1 $0x0  }
0x3: {  	[tilespmem:s8+$0x30] =	vst v0  }
0x4: {  	[tilespmem:s8+$0x20] =	vst v0  }
0x5: {  	s1 =	sadd.s32 $0xCA00, s31;
	s5 =	sadd.s32 $0x770A00, s31;
	s0 =	simm.s32 $0x40;
	[tilespmem:s8+$0x10] =	vst v0  }
.LBB2_1:
0x6: {  	s0 =	sadd.s32 $0x40, s0  }
0x7: {  	[tilespmem:s8+$0x0] =	vst v0;
	s8 =	sadd.s32 $0x40, s8;
	p0 =	slt.u32 s0, $0x5040  }
.Ltmp0:
0x8: {  	(pc) =	sbr.rel @p0 .LBB2_1-.Ltmp0, $4  }
0x9: {  	_ = 	snop  }
0xa: {  	[tilespmem:s8+$0x30] =	vst v0  }
0xb: {  	[tilespmem:s8+$0x20] =	vst v0  }
0xc: {  	[tilespmem:s8+$0x10] =	vst v0  }
0xd: {  	s3 =	stileid.u32  }
0xe: {  	s0 =	smul.u32 $0x50, s3  }
0xf: {  	s2 =	smin.u32 s3, $0xA  }
0x10: {  	s0 =	sor.u32 s2, s0  }
0x11: {  	p0 =	slt.u32 s3, $0xA;
	s6 =	smul.u32 $0x140, s0;
	s0 =	simm.s32 $0x6540  }
0x12: {  	s0 =	simm.s32 @!p0 $0x6400  }
0x13: {  	s0 =	sadd.s32 s0, s6  }
0x14: {  	s7 =	smin.u32 s0, $0x64B54  }
0x15: {  	s0 =	ssub.s32 s7, s6  }
0x16: {  	p0 =	sgt.s32 s0, $0x0  }
0x17: {  	s4 =	simm.s32 $0x2;
	s0 =	simm.s32 @!p0 $0x0  }
0x18: {  	s9 =	simm.s32 $0x7;
	s10 =	simm.s32 $0x8;
	s29 =	smulhi.u32 $0x66666667, s0  }
0x19: {  	s11 =	simm.s32 $0x1;
	s15 =	simm.s32 $0x0;
	p1 =	por $0x0, $0x0  }
0x1a: {  	[tilespmem:s8+$0x0] =	vst v0;
	v0 =	vimm.s32 $0xFFFFFFFF;
	s16 =	simm.s32 $0xA;
	[sflag:s4] =	ssyncpa.u1 $0x0;
	s2 =	sshrl.u32 s29, $0x7  }
0x1b: {  	s20 =	simm.s32 $0x0;
	[tilespmem:$0xA108] =	vst v0;
	[sflag:s9] =	ssyncpa.u1 $0x0;
	s30 =	smul.u32 $0x140, s2  }
.Ltmp1:
0x1c: {  	s17 =	simm.s32 $0x0;
	[sflag:s10] =	ssyncpa.u1 $0x0;
	(pc) =	sbr.rel .LBB2_3-.Ltmp1, $4  }
0x1d: {  	s10 =	simm.s32 $0x9;
	p0 =	sne.s32 s0, s30;
	s0 =	simm.s32 $0x1  }
0x1e: {  	s19 =	simm.s32 $0x0;
	[sflag:s10] =	ssyncpa.u1 $0x0;
	s0 =	simm.s32 @!p0 $0x0  }
0x1f: {  	s13 =	sshll.u32 s3, $0x7;
	s8 =	rddreg [dreg:$0x1];
	s12 =	sadd.s32 s0, s2  }
0x20: {  	v0 =	vlaneseq.u32;
	s18 =	smov.u32 s6;
	p0 =	por $0x1, $0x1;
	s14 =	sadd.s32 $0x1, s12  }
.LBB2_24:
0x21: {  	s0 =	sshrl.u32 s29, $0x2  }
.LBB2_26:
0x22: {  	_ =	swait.ge [sflag:s16], s0  }
0x23: {  	s30 =	ssub.s32 $0x0, s0;
	v1 =	vmov s22;
	vm0 =	veq.s32 v0, $0x0;
	[sflag:s16] =	ssyncset.done $0x0  }
0x24: {  	vm15 =	veq.s32 v0, $0x2;
	v1 =	vsel vm0, s28, v1;
	[sflag:s16] =	ssyncadd.s32 s30  }
0x25: {  	v1 =	vsel vm15, s20, v1;
	[sflag:s16] =	ssyncpa.u1 $0x1  }
0x26: {  	[tilespmem:$0xA108] =	vst v1  }
.LBB2_27:
0x27: {  	s0 =	sadd.s32 $0x140, s18  }
0x28: {  	s2 =	smov.u32 s6;
	p2 =	slt.s32 s0, s7  }
0x29: {  	s2 =	smov.u32 @p2 s0;
	p2 =	sne.s32 s19, s14  }
.Ltmp2:
0x2a: {  	_ = 	snop;
	(pc) =	sbr.rel @!p2 .LBB2_28-.Ltmp2, $4  }
0x2b: {  	_ = 	snop  }
0x2c: {  	s20 =	smov.u32 s17  }
0x2d: {  	s30 =	sadd.s32 $0x1, s19;
	s17 =	smov.u32 s18;
	p0 =	por !p0, !p0  }
0x2e: {  	p1 =	por !p1, !p1;
	s19 =	smov.u32 s30;
	s18 =	smov.u32 s2  }
.LBB2_3:
0x2f: {  	p2 =	sge.u32 s19, s12  }
0x30: {  	s0 =	smulhi.u32 @!p2 $0xAAAAAAAB, s19  }
0x31: {  	s2 =	smov.u32 s18;
	p3 =	sgt.s32 @!p2 s18, $0x64A14  }
0x32: {  	s4 =	sshra.s32 @!p2 s18, $0x1F;
	p3 =	por !p3, p2;
	s0 =	sshrl.u32 @!p2 s0, $0x1  }
0x33: {  	s4 =	sand.u32 @!p2 s4, s18;
	s2 =	simm.s32 @p3 $0x64A14;
	s0 =	smul.u32 @!p2 $0x3, s0  }
0x34: {  	s2 =	ssub.s32 @!p2 s2, s4  }
0x35: {  	s22 =	sadd.s32 $0xFFFFFFFF, s19;
	s2 =	sadd.s32 @!p2 $0xFFF9B5EC, s2;
	s0 =	ssub.s32 @!p2 s19, s0  }
0x36: {  	s4 =	sshll.u32 @!p2 s2, $0x2;
	p3 =	sgt.s32 @!p2 s2, $0x13F;
	s0 =	smul.u32 @!p2 $0x500, s0  }
0x37: {  	s21 =	sand.u32 @!p2 $0x7, s18;
	s2 =	ssub.s32 @!p2 $0x500, s4;
	p3 =	por !p3, p2  }
0x38: {  	s4 =	sshrl.u32 @!p2 s18, $0x3;
	s2 =	sshrl.u32 @!p2 s2, $0x2;
	s0 =	sshrl.u32 @!p2 s0, $0x2  }
0x39: {  	s4 =	sadd.s32 @!p2 s31, s4;
	s2 =	simm.s32 @!p3 $0x0;
	s0 =	sadd.s32 @!p2 $0xA938, s0  }
0x3a: {  	[tilespmem:s0], [sflag:$0x8] =	stream.linear.gather @!p2 [hbm4b:s4+s21], s2, $0x38;
	[tilespmem:$0x1EF78] =	vst v63  }
0x3b: {  	p2 =	sge.u32 s22, s12  }
0x3c: {  	p3 =	sgt.s32 @!p2 s17, $0x64A14  }
0x3d: {  	s0 =	smov.u32 s17;
	s2 =	sshra.s32 @!p2 s17, $0x1F;
	p3 =	por !p3, p2  }
0x3e: {  	s2 =	sand.u32 @!p2 s2, s17;
	s0 =	simm.s32 @p3 $0x64A14  }
0x3f: {  	s0 =	ssub.s32 @!p2 s0, s2  }
0x40: {  	s0 =	sadd.s32 @!p2 $0xFFF9B5EC, s0  }
0x41: {  	s2 =	sshll.u32 @!p2 s0, $0x2  }
0x42: {  	p3 =	sgt.s32 @!p2 s0, $0x13F;
	s0 =	ssub.s32 @!p2 $0x500, s2  }
0x43: {  	p3 =	por !p3, p2;
	s0 =	sshrl.u32 @!p2 s0, $0x2  }
0x44: {  	s4 =	simm.s32 @!p2 $0x8;
	s2 =	sand.u32 @!p2 $0x1, s22;
	s0 =	simm.s32 @!p3 $0x0  }
0x45: {  	s2 =	smul.u32 @!p2 $0x500, s2;
	_ =	swait.ge @!p2 [sflag:s4], s0  }
0x46: {  	s21 =	ssub.s32 @!p2 $0x0, s0;
	[sflag:s4] =	ssyncset.done @!p2 $0x0  }
0x47: {  	s2 =	sshrl.u32 @!p2 s2, $0x2;
	[sflag:s4] =	ssyncadd.s32 @!p2 s21;
	s4 =	sshrl.u32 @!p2 s17, $0x3  }
0x48: {  	s2 =	sadd.s32 @!p2 $0xACF8, s2;
	s21 =	sand.u32 @!p2 $0x7, s17;
	s4 =	sadd.s32 @!p2 s8, s4  }
0x49: {  	[tilespmem:s2], [sflag:$0x9] =	stream.linear.gather @!p2 [hbm4b:s4+s21], s0, $0x38;
	[tilespmem:$0x1EF78] =	vst v63  }
0x4a: {  	s21 =	ssub.s32 @!p2 $0x64B54, s17  }
0x4b: {  	p3 =	slt.s32 @!p2 s21, $0x1  }
0x4c: {  	p3 =	por p2, p3  }
.Ltmp3:
0x4d: {  	_ = 	snop;
	(pc) =	sbr.rel @p3 .LBB2_9-.Ltmp3, $1  }
0x4e: {  	_ =	sdelay $0x3  }
0x4f: {  	s0 =	smulhi.u32 $0xAAAAAAAB, s22;
	_ =	sdelay $0x1  }
0x50: {  	s0 =	sshrl.u32 s0, $0x1  }
0x51: {  	s0 =	smul.u32 $0x3, s0;
	_ =	sdelay $0x1  }
0x52: {  	s0 =	ssub.s32 s22, s0  }
0x53: {  	s2 =	simm.s32 $0x1;
	s0 =	smul.u32 $0x500, s0  }
.Ltmp4:
0x54: {  	s2 =	simm.s32 @!p0 $0x0;
	(pc) =	sbr.rel .LBB2_6-.Ltmp4, $4  }
0x55: {  	s2 =	smul.u32 $0x28000, s2  }
0x56: {  	p3 =	slt.s32 @!p2 s21, $0x140;
	s0 =	sshrl.u32 s0, $0x2  }
0x57: {  	p2 =	por !p3, p2;
	s2 =	sshrl.u32 s2, $0x2;
	s0 =	sadd.s32 $0xA938, s0  }
0x58: {  	s23 =	simm.s32 $0x0;
	s21 =	simm.s32 @p2 $0x140;
	s22 =	sadd.s32 $0xAF78, s2;
	v1 =	vmov s0  }
.LBB2_5:
0x59: {  	p2 =	sge.s32 s23, s21  }
.Ltmp5:
0x5a: {  	_ = 	snop;
	(pc) =	sbr.rel @p2 .LBB2_9-.Ltmp5, $2  }
0x5b: {  	_ =	sdelay $0x2  }
0x5c: {  	s22 =	sadd.s32 $0x800, s22  }
.LBB2_6:
0x5d: {  	p2 =	sle.s32 s21, s23  }
.Ltmp6:
0x5e: {  	_ = 	snop;
	(pc) =	sbr.rel @p2 .LBB2_5-.Ltmp6, $2  }
0x5f: {  	_ =	sdelay $0x2  }
0x60: {  	s24 =	smov.u32 s23;
	s23 =	sadd.s32 $0x10, s23  }
0x61: {  	s0 =	ssub.s32 s21, s24  }
0x62: {  	p2 =	slt.s32 s0, $0x10  }
0x63: {  	s0 =	simm.s32 @!p2 $0x10  }
0x64: {  	v2 =	vmov s0  }
0x65: {  	vm0 =	vgt.s32 v2, v0;
	_ =	sdelay $0x5  }
0x66: {  	v2 =	vld.idx.msk [tilespmem:v1+s24+$0x0 ss:$0x1], vm0;
	_ =	sdelay $0x2  }
0x67: {  	p2 =	slt.s32 s23, s21;
	s0 =	smov.u32 s21  }
0x68: {  	s2 =	smov.u32 s22;
	s25 =	simm.s32 $0x0;
	s0 =	smov.u32 @p2 s23  }
.LBB2_8:
0x69: {  	(v2sf) =	vpush v2, s25;
	_ =	sdelay $0xc  }
0x6a: {  	s25 =	sadd.s32 $0x1, s25  }
0x6b: {  	s30 =	sadd.s32 s25, s24  }
0x6c: {  	p2 =	slt.s32 s30, s0;
	s4 =	spop (v2sf)  }
.Ltmp7:
0x6d: {  	s4 =	sshll.u32 s4, $0x4;
	(pc) =	sbr.rel @p2 .LBB2_8-.Ltmp7, $4  }
0x6e: {  	s4 =	sand.u32 $0x1FFFFFF0, s4  }
0x6f: {  	s4 =	sadd.s32 s5, s4  }
0x70: {  	[tilespmem:s2], [sflag:$0x7] =	stream.linear.gather [hbm4b:s4+s15], $0x40, $0x38;
	[tilespmem:$0x1EF78] =	vst v63  }
0x71: {  	s2 =	sadd.s32 $0x80, s2  }
.Ltmp8:
0x72: {  	_ = 	snop;
	(pc) =	sbr.rel .LBB2_5-.Ltmp8, $1  }
0x73: {  	_ =	sdelay $0x3  }
.LBB2_9:
0x74: {  	p2 =	slt.u32 s19, $0x2  }
.Ltmp9:
0x75: {  	_ = 	snop;
	(pc) =	sbr.rel @p2 .LBB2_27-.Ltmp9, $1  }
0x76: {  	_ =	sdelay $0x3  }
0x77: {  	p2 =	sgt.s32 s20, $0x64A14;
	s0 =	smov.u32 s20  }
0x78: {  	s2 =	sshra.s32 s20, $0x1F;
	s4 =	ssub.s32 $0x64B54, s20;
	s0 =	simm.s32 @!p2 $0x64A14  }
0x79: {  	s2 =	sand.u32 s2, s20;
	p2 =	slt.s32 s4, $0x140;
	s21 =	smov.u32 s4  }
0x7a: {  	s0 =	ssub.s32 s0, s2;
	s21 =	simm.s32 @!p2 $0x140  }
0x7b: {  	s0 =	sadd.s32 $0xFFF9B5EC, s0;
	s25 =	sshll.u32 s21, $0x6  }
0x7c: {  	s26 =	sshll.u32 s0, $0x2;
	s2 =	sand.u32 $0x3FFFFFC0, s25  }
0x7d: {  	p2 =	sgt.s32 s0, $0x13F;
	s29 =	ssub.s32 $0x500, s26;
	_ =	swait.ge [sflag:s9], s2  }
0x7e: {  	s2 =	ssub.s32 $0x0, s2;
	[sflag:s9] =	ssyncset.done $0x0;
	s0 =	sshrl.u32 s29, $0x2  }
0x7f: {  	[sflag:s9] =	ssyncadd.s32 s2;
	s0 =	simm.s32 @p2 $0x0  }
0x80: {  	_ =	swait.ge [sflag:s10], s0  }
0x81: {  	s0 =	ssub.s32 $0x0, s0;
	[sflag:s10] =	ssyncset.done $0x0  }
0x82: {  	[sflag:s10] =	ssyncadd.s32 s0  }
0x83: {  	v1 =	vld [tilespmem:$0xA108];
	_ =	sdelay $0x4  }
0x84: {  	(v2sf) =	vpush v1, $0x0  }
0x85: {  	(v2sf) =	vpush v1, $0x1  }
0x86: {  	(v2sf) =	vpush v1, $0x2;
	_ =	sdelay $0x3  }
0x87: {  	s0 =	sadd.s32 $0x140, s20  }
0x88: {  	p2 =	slt.s32 s7, s0  }
0x89: {  	s0 =	smov.u32 @p2 s7;
	p2 =	sgt.s32 s4, $0x0  }
0x8a: {  	s24 =	ssub.s32 s0, s20;
	s4 =	simm.s32 @!p2 $0x0  }
0x8b: {  	p2 =	slt.s32 s4, s24  }
0x8c: {  	s24 =	smov.u32 @p2 s4  }
0x8d: {  	s23 =	simm.s32 $0x1;
	p2 =	slt.s32 s24, $0x1  }
.Ltmp10:
0x8e: {  	s23 =	simm.s32 @!p1 $0x0;
	(pc) =	sbr.rel @p2 .LBB2_14-.Ltmp10, $4  }
0x8f: {  	s30 =	smul.u32 $0x500, s23  }
0x90: {  	s25 =	spop (v2sf)  }
0x91: {  	s0 =	sshrl.u32 s30, $0x2;
	s28 =	spop (v2sf)  }
0x92: {  	s21 =	sadd.s32 $0xACF8, s0;
	s20 =	spop (v2sf)  }
0x93: {  	s0 =	smin.u32 s24, $0x10  }
0x94: {  	v1 =	vmov s0  }
0x95: {  	p3 =	sgt.s32 s24, $0x10;
	vm1 =	vgt.u32 v1, v0  }
.Ltmp11:
0x96: {  	_ = 	snop;
	(pc) =	sbr.rel @!p3 .LBB2_13-.Ltmp11, $2  }
0x97: {  	_ =	sdelay $0x2  }
0x98: {  	s26 =	simm.s32 $0x10;
	s29 =	sadd.s32 $0xFFFFFFF0, s24;
	s22 =	smov.u32 s21;
	vm0 =	vmmov vm1  }
.LBB2_12:
0x99: {  	s0 =	smin.u32 s29, $0x10;
	s26 =	sadd.s32 $0x10, s26;
	v1 =	vld.msk [tilespmem:s22+$0x0 ss:$0x1], vm1  }
0x9a: {  	v2 =	vmov s0;
	p3 =	slt.s32 s26, s24  }
0x9b: {  	vm1 =	vgt.u32 v2, v0  }
.Ltmp12:
0x9c: {  	(pc) =	sbr.rel @p3 .LBB2_12-.Ltmp12, $3  }
0x9d: {  	_ =	sdelay $0x1  }
0x9e: {  	v1 =	vshll.u32 v1, $0x4  }
0x9f: {  	s29 =	sadd.s32 $0xFFFFFFF0, s29;
	[tilespmem:s22+$0x0] =	vst.msk vm0, v1;
	s22 =	sadd.s32 $0x10, s22;
	vm0 =	vmmov vm1  }
.LBB2_13:
0xa0: {  	_ =	sdelay $0x4  }
0xa1: {  	v1 =	vld.msk [tilespmem:s22+$0x0 ss:$0x1], vm1;
	_ =	sdelay $0x4  }
0xa2: {  	v1 =	vshll.u32 v1, $0x4  }
0xa3: {  	[tilespmem:s22+$0x0] =	vst.msk vm0, v1  }
.LBB2_14:
0xa4: {  	s0 =	sand.u32 $0x1, s19  }
0xa5: {  	s2 =	smul.u32 $0xA000, s0  }
0xa6: {  	p3 =	sne.s32 s28, $0xFFFFFFFF;
	s0 =	smul.u32 $0x140, s0  }
0xa7: {  	v1 =	vld @!p3 [tilespmem:s2+$0xAF78]  }
0xa8: {  	v2 =	vld.msk @!p3 [tilespmem:s0+$0xACF8], $0x1;
	_ =	sdelay $0x3  }
0xa9: {  	[tilespmem:$0x88] =	vst @!p3 v1  }
0xaa: {  	(v2sf) =	vpush @!p3 v2, $0x0;
	v1 =	vld @!p3 [tilespmem:s2+$0xAF88];
	_ =	sdelay $0x4  }
0xab: {  	[tilespmem:$0x98] =	vst @!p3 v1  }
0xac: {  	v1 =	vld @!p3 [tilespmem:s2+$0xAF98];
	_ =	sdelay $0x4  }
0xad: {  	[tilespmem:$0xA8] =	vst @!p3 v1  }
0xae: {  	v1 =	vld @!p3 [tilespmem:s2+$0xAFA8]  }
.Ltmp13:
0xaf: {  	_ = 	snop;
	(pc) =	sbr.rel @p2 .LBB2_25-.Ltmp13, $4  }
0xb0: {  	_ = 	snop  }
0xb1: {  	s26 =	spop @!p3 (v2sf)  }
0xb2: {  	s20 =	simm.s32 @!p3 $0x0;
	s22 =	smov.u32 s26  }
0xb3: {  	s26 =	smov.u32 @p3 s25;
	s22 =	smov.u32 @p3 s28;
	[tilespmem:$0xB8] =	vst @!p3 v1;
	[sflag:s16] =	ssyncpa.u1 $0x0  }
0xb4: {  	v1 =	vld.msk [tilespmem:s21+$0x0], $0x1;
	_ =	sdelay $0x4  }
0xb5: {  	(v2sf) =	vpush v1, $0x0;
	_ =	sdelay $0xe  }
0xb6: {  	s0 =	smul.u32 $0x28000, s23;
	s30 =	spop (v2sf)  }
0xb7: {  	s24 =	ssub.s32 $0x0, s24;
	p2 =	seq.s32 s26, s30  }
0xb8: {  	s28 =	sadd.s32 $0x1, s24;
	s0 =	sshrl.u32 s0, $0x2;
	p3 =	sgt.s32 @!p2 s26, $0x0  }
0xb9: {  	s23 =	sadd.s32 $0xAF98, s0;
	s0 =	smov.u32 s26;
	p3 =	por !p3, p2  }
0xba: {  	s0 =	simm.s32 @p3 $0x0;
	p3 =	seq.s32 s28, $0x0  }
.Ltmp14:
0xbb: {  	_ = 	snop;
	(pc) =	sbr.rel @p3 .LBB2_17-.Ltmp14, $4  }
0xbc: {  	s8 =	smov.u32 s31  }
0xbd: {  	s25 =	simm.s32 $0x0;
	s31 =	simm.s32 @!p2 $0x1;
	s2 =	smin.u32 @!p2 s0, $0x30D78  }
0xbe: {  	s29 =	sadd.s32 $0x1, s21;
	s31 =	smov.u32 @p2 s25;
	s4 =	sand.u32 @!p2 $0x3FFF8, s2  }
0xbf: {  	s0 =	simm.s32 @!p2 $0x50C8;
	s2 =	sand.u32 @!p2 $0x7, s2;
	s4 =	sadd.s32 @!p2 s1, s4  }
.LBB2_16:
0xc0: {  	s3 =	smov.u32 s31  }
0xc1: {  	[tilespmem:s0], [sflag:$0x2] =	stream.linear.gather @!p2 [hbm4b:s4+s2], $0x40, $0x38;
	[tilespmem:$0x1EF78] =	vst v63  }
0xc2: {  	s28 =	sadd.s32 $0x1, s28;
	s2 =	smov.u32 s30;
	v1 =	vld.msk [tilespmem:s29+$0x0], $0x1  }
0xc3: {  	p3 =	seq.s32 s28, $0x0;
	_ =	sdelay $0x3  }
0xc4: {  	(v2sf) =	vpush v1, $0x0;
	_ =	sdelay $0xe  }
0xc5: {  	s30 =	spop (v2sf)  }
0xc6: {  	p2 =	seq.s32 s2, s30  }
0xc7: {  	p4 =	sgt.s32 @!p2 s2, $0x0;
	s0 =	sshll.u32 @!p2 s31, $0x8;
	s31 =	sadd.s32 @!p2 $0x1, s31  }
.Ltmp15:
0xc8: {  	p4 =	por !p4, p2;
	s0 =	sshra.s32 @!p2 s0, $0x2;
	(pc) =	sbr.rel @!p3 .LBB2_16-.Ltmp15, $4  }
0xc9: {  	s31 =	smov.u32 @p2 s3;
	s2 =	simm.s32 @p4 $0x0;
	s0 =	sadd.s32 @!p2 $0x50C8, s0  }
0xca: {  	s2 =	smin.u32 @!p2 s2, $0x30D78  }
0xcb: {  	s3 =	sand.u32 @!p2 $0x3FFF8, s2;
	s2 =	sand.u32 @!p2 $0x7, s2  }
0xcc: {  	s29 =	sadd.s32 $0x1, s29;
	s4 =	sadd.s32 @!p2 s1, s3  }
.LBB2_17:
0xcd: {  	[tilespmem:s0], [sflag:$0x2] =	stream.linear.gather @!p2 [hbm4b:s4+s2], $0x40, $0x38;
	[tilespmem:$0x1EF78] =	vst v63  }
0xce: {  	s28 =	sshll.u32 s31, $0x6  }
.Ltmp16:
0xcf: {  	s30 =	simm.s32 $0x2;
	s0 =	sand.u32 $0x3FFFFFC0, s28;
	(pc) =	sbr.rel .LBB2_18-.Ltmp16, $4  }
0xd0: {  	_ =	swait.ge [sflag:s30], s0  }
0xd1: {  	s0 =	ssub.s32 $0x0, s0;
	[sflag:s30] =	ssyncset.done $0x0  }
0xd2: {  	[sflag:s30] =	ssyncadd.s32 s0  }
0xd3: {  	s29 =	simm.s32 $0x0;
	s31 =	smov.u32 s8;
	s8 =	rddreg [dreg:$0x1]  }
.LBB2_19:
0xd4: {  	v1 =	vld [tilespmem:s23+$0xFFFFFFE0]  }
0xd5: {  	v2 =	vld [tilespmem:s30+$0x88];
	_ =	sdelay $0x4  }
0xd6: {  	v1 =	vmax.f32 v1, v2  }
0xd7: {  	v2 =	vld [tilespmem:s30+$0x98];
	[tilespmem:s30+$0x88] =	vst v1  }
0xd8: {  	v1 =	vld [tilespmem:s23+$0xFFFFFFF0];
	_ =	sdelay $0x4  }
0xd9: {  	v1 =	vmax.f32 v1, v2  }
0xda: {  	v2 =	vld [tilespmem:s30+$0xA8];
	[tilespmem:s30+$0x98] =	vst v1  }
0xdb: {  	v1 =	vld [tilespmem:s23+$0x0];
	_ =	sdelay $0x4  }
0xdc: {  	v1 =	vmax.f32 v1, v2  }
0xdd: {  	v2 =	vld [tilespmem:s30+$0xB8];
	[tilespmem:s30+$0xA8] =	vst v1  }
0xde: {  	v1 =	vld [tilespmem:s23+$0x10];
	_ =	sdelay $0x4  }
0xdf: {  	v1 =	vmax.f32 v1, v2  }
0xe0: {  	[tilespmem:s30+$0xB8] =	vst v1  }
.LBB2_23:
0xe1: {  	s24 =	sadd.s32 $0x1, s24  }
0xe2: {  	p2 =	seq.s32 s24, $0x0  }
.Ltmp17:
0xe3: {  	_ = 	snop;
	(pc) =	sbr.rel @p2 .LBB2_24-.Ltmp17, $2  }
0xe4: {  	_ =	sdelay $0x2  }
0xe5: {  	s23 =	sadd.s32 $0x80, s23;
	s21 =	sadd.s32 $0x1, s21;
	s26 =	smov.u32 s28  }
.LBB2_18:
0xe6: {  	v1 =	vld.msk [tilespmem:s21+$0x0], $0x1;
	_ =	sdelay $0x4  }
0xe7: {  	(v2sf) =	vpush v1, $0x0;
	_ =	sdelay $0xe  }
0xe8: {  	s28 =	spop (v2sf)  }
0xe9: {  	p2 =	sne.s32 s26, s28  }
.Ltmp18:
0xea: {  	_ = 	snop;
	(pc) =	sbr.rel @!p2 .LBB2_19-.Ltmp18, $3  }
0xeb: {  	_ =	sdelay $0x1  }
0xec: {  	s0 =	sshll.u32 s20, $0x8  }
0xed: {  	s30 =	sshra.s32 s0, $0x2  }
0xee: {  	p2 =	seq.s32 s26, s22  }
.Ltmp19:
0xef: {  	_ = 	snop;
	(pc) =	sbr.rel @!p2 .LBB2_21-.Ltmp19, $1  }
0xf0: {  	_ =	sdelay $0x3  }
.Ltmp20:
0xf1: {  	s0 =	sadd.s32 $0x88, s30;
	(pc) =	sbr.rel .LBB2_22-.Ltmp20, $4  }
0xf2: {  	[spmem:s13] =	stream.linear.scatter [tilespmem:s0], [sflag:$0x1], $0x40, $0x38;
	[tilespmem:$0x1EF78] =	vst v63  }
0xf3: {  	_ =	swait.ge [sflag:s11], $0x40  }
0xf4: {  	[sflag:s11] =	ssyncset.done $0x0  }
0xf5: {  	[sflag:s11] =	ssyncadd.s32 $0xFFFFFFC0  }
.LBB2_21:
0xf6: {  	s0 =	sshll.u32 s25, $0x8  }
0xf7: {  	v2 =	vld [tilespmem:s30+$0x88];
	s0 =	sshra.s32 s0, $0x2  }
0xf8: {  	v1 =	vld [tilespmem:s0+$0x50C8];
	_ =	sdelay $0x4  }
0xf9: {  	v1 =	vmax.f32 v1, v2  }
0xfa: {  	v2 =	vld [tilespmem:s30+$0x98];
	[tilespmem:s30+$0x88] =	vst v1  }
0xfb: {  	v1 =	vld [tilespmem:s0+$0x50D8];
	_ =	sdelay $0x4  }
0xfc: {  	v1 =	vmax.f32 v1, v2  }
0xfd: {  	v2 =	vld [tilespmem:s30+$0xA8];
	[tilespmem:s30+$0x98] =	vst v1  }
0xfe: {  	v1 =	vld [tilespmem:s0+$0x50E8];
	_ =	sdelay $0x4  }
0xff: {  	v1 =	vmax.f32 v1, v2  }
0x100: {  	v2 =	vld [tilespmem:s30+$0xB8];
	[tilespmem:s30+$0xA8] =	vst v1  }
0x101: {  	v1 =	vld [tilespmem:s0+$0x50F8];
	_ =	sdelay $0x3  }
0x102: {  	p2 =	sgt.u32 s26, $0x30D78  }
0x103: {  	s0 =	sand.u32 @!p2 $0x3FFF8, s26;
	v1 =	vmax.f32 v1, v2  }
0x104: {  	s2 =	sadd.s32 $0x88, s30;
	s3 =	sand.u32 @!p2 $0x7, s26;
	s0 =	sadd.s32 @!p2 s1, s0;
	[tilespmem:s30+$0xB8] =	vst v1  }
0x105: {  	[hbm4b:s0+s3] =	stream.linear.scatter @!p2 [tilespmem:s2], [sflag:$0xA], $0x40, $0x38;
	[tilespmem:$0x1EF78] =	vst v63  }
0x106: {  	s0 =	simm.s32 $0x0  }
0x107: {  	s0 =	simm.s32 @!p2 $0x100  }
0x108: {  	s29 =	sadd.s32 s0, s29  }
.LBB2_22:
0x109: {  	s0 =	sadd.s32 $0x1, s20  }
0x10a: {  	s2 =	smulhi.u32 $0xCCCCCCCD, s0;
	_ =	sdelay $0x1  }
0x10b: {  	v1 =	vld [tilespmem:s23+$0xFFFFFFE0];
	s2 =	sshrl.u32 s2, $0x8  }
0x10c: {  	s2 =	smul.u32 $0x140, s2;
	_ =	sdelay $0x1  }
0x10d: {  	s20 =	ssub.s32 s0, s2  }
0x10e: {  	s0 =	sshll.u32 s20, $0x6  }
0x10f: {  	[tilespmem:s0+$0x88] =	vst v1  }
0x110: {  	v1 =	vld [tilespmem:s23+$0xFFFFFFF0];
	_ =	sdelay $0x4  }
0x111: {  	[tilespmem:s0+$0x98] =	vst v1  }
0x112: {  	v1 =	vld [tilespmem:s23+$0x0];
	_ =	sdelay $0x4  }
0x113: {  	[tilespmem:s0+$0xA8] =	vst v1  }
0x114: {  	v1 =	vld [tilespmem:s23+$0x10]  }
.Ltmp21:
0x115: {  	_ = 	snop;
	(pc) =	sbr.rel .LBB2_23-.Ltmp21, $2  }
0x116: {  	_ =	sdelay $0x2  }
0x117: {  	s25 =	sadd.s32 $0x1, s25;
	[tilespmem:s0+$0xB8] =	vst v1  }
.LBB2_25:
.Ltmp22:
0x118: {  	(pc) =	sbr.rel .LBB2_26-.Ltmp22, $4  }
0x119: {  	_ = 	snop  }
0x11a: {  	s0 =	simm.s32 $0x2  }
0x11b: {  	_ =	swait.ge [sflag:s0], $0x0  }
0x11c: {  	s28 =	smov.u32 s26;
	[sflag:s0] =	ssyncset.done $0x0;
	s0 =	simm.s32 $0x0  }
.LBB2_28:
0x11d: {  	_ =	sfence.sel $0x180000  }
0x11e: {  	s0 =	simm.s32 $0x7;
	[bflag:$0x0] =	sbarrier.arrive $0xFFFF  }
0x11f: {  	s25 =	simm.s32 $0x8;
	[sflag:s0] =	ssyncpa.u1 $0x1  }
0x120: {  	s26 =	simm.s32 $0x9;
	[sflag:s25] =	ssyncpa.u1 $0x1  }
0x121: {  	s28 =	simm.s32 $0x2;
	[sflag:s26] =	ssyncpa.u1 $0x1  }
0x122: {  	[sflag:s28] =	ssyncpa.u1 $0x1  }
0x123: {  	v0 =	vld [tilespmem:$0xA108];
	_ =	sdelay $0x4  }
0x124: {  	(v2sf) =	vpush v0, $0x0  }
0x125: {  	(v2sf) =	vpush v0, $0x1;
	_ =	sdelay $0x1  }
0x126: {  	(v2sf) =	vpush v0, $0x2;
	_ =	sdelay $0xb  }
0x127: {  	s0 =	spop (v2sf)  }
0x128: {  	s2 =	spop (v2sf)  }
0x129: {  	s3 =	smov.u32 s0;
	p0 =	sne.s32 s0, s2  }
0x12a: {  	s4 =	spop (v2sf);
	s3 =	simm.s32 @!p0 $0xFFFFFFFF  }
0x12b: {  	v2 =	vimm.s32 $0x1;
	v3 =	vlaneseq.u32;
	p0 =	seq.s32 s4, $0xFFFFFFFF;
	v1 =	vmov s3  }
0x12c: {  	s7 =	stileid.u32;
	v0 =	vperm.xlane v0, v2;
	p1 =	sne.s32 @!p0 s0, s2;
	v1 =	vperm.xlane v1, v3  }
0x12d: {  	vm0 =	vcmask $0x3F04;
	s6 =	simm.s32 $0xA108;
	s0 =	simm.s32 @!p0 $0x1;
	p1 =	por !p1, p0  }
0x12e: {  	s3 =	sshll.u32 s7, $0x1;
	s2 =	sshll.u32 @!p0 s4, $0x8;
	s0 =	simm.s32 @p1 $0x0;
	v0 =	vsel vm0, v1, v0  }
0x12f: {  	s5 =	sor.u32 $0x800, s3;
	s2 =	sshra.s32 @!p0 s2, $0x2;
	s0 =	sor.u32 @!p0 s0, s3;
	[tilespmem:$0xA108] =	vst v0  }
0x130: {  	[spmem:s5] =	stream.linear.scatter [tilespmem:s6], [sflag:$0x1], $0x2, $0x38;
	[tilespmem:$0x1EF78] =	vst v63  }
0x131: {  	s2 =	sadd.s32 @!p0 $0x88, s2;
	s0 =	sshll.u32 @!p0 s0, $0x6  }
0x132: {  	[spmem:s0] =	stream.linear.scatter @!p0 [tilespmem:s2], [sflag:$0x1], $0x40, $0x38;
	[tilespmem:$0x1EF78] =	vst v63  }
0x133: {  	s2 =	simm.s32 @!p0 $0x42  }
0x134: {  	s0 =	simm.s32 $0x1;
	s2 =	simm.s32 @p0 $0x2  }
0x135: {  	_ =	swait.ge [sflag:s0], s2  }
0x136: {  	s2 =	ssub.s32 $0x0, s2;
	[sflag:s0] =	ssyncset.done $0x0  }
0x137: {  	[sflag:s0] =	ssyncadd.s32 s2  }
0x138: {  	_ =	sfence.stream.spmem  }
0x139: {  	s29 =	simm.s32 $0x3;
	[bflag:$0x0] =	sbarrier.arrive $0xFFFF  }
0x13a: {  	s30 =	simm.s32 $0x4;
	[sflag:s29] =	ssyncpa.u1 $0x1  }
0x13b: {  	s31 =	simm.s32 $0x3C;
	[sflag:s30] =	ssyncpa.u1 $0x1  }
0x13c: {  	p0 =	sne.s32 s7, $0x0;
	[sflag:s31] =	ssyncpa.u1 $0x1  }
0x13d: {  	_ =	sfence @p0  }
0x13e: {  	[sflag:s0] =	ssyncpa.u1 @p0 $0x1  }
0x13f: {  	_ =	strace @p0 $0x9000004A  }
0x140: {  	[bflag:$0x2] =	sbarrier.arrive @p0 $0xFFFF  }
0x141: {  	_ =	shalt @p0  }
.LBB2_29:
0x142: {  	_ =	sfence.stream.spmem;
	s0 =	simm.s32 $0x5  }
0x143: {  	s2 =	simm.s32 $0x800;
	s3 =	simm.s32 $0xA118;
	[sflag:s0] =	ssyncpa.u1 $0x0  }
0x144: {  	[tilespmem:s3], [sflag:$0x5] =	stream.linear.gather [spmem:s2], $0x20, $0x38;
	[tilespmem:$0x1EF78] =	vst v63  }
0x145: {  	s30 =	simm.s32 $0xA138;
	s2 =	simm.s32 $0x0  }
0x146: {  	[tilespmem:s30], [sflag:$0x5] =	stream.linear.gather [spmem:s2], $0x800, $0x38;
	[tilespmem:$0x1EF78] =	vst v63  }
.Ltmp23:
0x147: {  	_ = 	snop;
	(pc) =	sbr.rel .LBB2_30-.Ltmp23, $4  }
0x148: {  	_ =	swait.ge [sflag:s0], $0x820  }
0x149: {  	[sflag:s0] =	ssyncset.done $0x0  }
0x14a: {  	s31 =	simm.s32 $0x6;
	[sflag:s0] =	ssyncadd.s32 $0xFFFFF7E0  }
0x14b: {  	s3 =	simm.s32 $0x0;
	[sflag:s31] =	ssyncpa.u1 $0x0  }
.LBB2_36:
0x14c: {  	p0 =	slt.u32 s4, $0x30D79  }
0x14d: {  	s0 =	sand.u32 @p0 $0x3FFF8, s4  }
0x14e: {  	s4 =	sand.u32 @p0 $0x7, s4;
	s5 =	simm.s32 @p0 $0xA0C8;
	s0 =	sadd.s32 @p0 s1, s0  }
0x14f: {  	[tilespmem:s5], [sflag:$0x6] =	stream.linear.gather @p0 [hbm4b:s0+s4], $0x40, $0x38;
	[tilespmem:$0x1EF78] =	vst v63  }
0x150: {  	s0 =	simm.s32 @p0 $0x6  }
0x151: {  	_ =	swait.ge @p0 [sflag:s0], $0x40  }
0x152: {  	[sflag:s0] =	ssyncset.done @p0 $0x0  }
0x153: {  	[sflag:s0] =	ssyncadd.s32 @p0 $0xFFFFFFC0;
	s0 =	sshll.u32 @p0 s3, $0x8  }
0x154: {  	s4 =	sshrl.u32 @p0 s0, $0x2;
	v1 =	vld @p0 [tilespmem:$0xA0C8]  }
0x155: {  	v2 =	vld @p0 [tilespmem:s4+$0xA138];
	_ =	sdelay $0x4  }
0x156: {  	v1 =	vmax.f32 @p0 v1, v2  }
0x157: {  	v2 =	vld @p0 [tilespmem:s4+$0xA148];
	[tilespmem:s4+$0xA138] =	vst @p0 v1  }
0x158: {  	v1 =	vld @p0 [tilespmem:$0xA0D8];
	_ =	sdelay $0x4  }
0x159: {  	v1 =	vmax.f32 @p0 v1, v2  }
0x15a: {  	v2 =	vld @p0 [tilespmem:s4+$0xA158];
	[tilespmem:s4+$0xA148] =	vst @p0 v1  }
0x15b: {  	v1 =	vld @p0 [tilespmem:$0xA0E8];
	_ =	sdelay $0x4  }
0x15c: {  	v1 =	vmax.f32 @p0 v1, v2  }
0x15d: {  	v2 =	vld @p0 [tilespmem:s4+$0xA168];
	[tilespmem:s4+$0xA158] =	vst @p0 v1  }
0x15e: {  	v1 =	vld @p0 [tilespmem:$0xA0F8];
	_ =	sdelay $0x4  }
0x15f: {  	s5 =	sshll.u32 @!p0 s3, $0x8;
	v1 =	vmax.f32 @p0 v1, v2  }
0x160: {  	s5 =	smov.u32 @p0 s0;
	[tilespmem:s4+$0xA168] =	vst @p0 v1  }
0x161: {  	s0 =	sshrl.u32 s5, $0x2;
	[tilespmem:s2+$0xA118] =	vst.msk $0x1, v0  }
0x162: {  	v0 =	vld [tilespmem:s0+$0xA138];
	_ =	sdelay $0x2  }
0x163: {  	s31 =	sshll.u32 s2, $0x8  }
0x164: {  	s4 =	sshra.s32 s31, $0x2  }
0x165: {  	[tilespmem:s4+$0xA138] =	vst v0  }
0x166: {  	v0 =	vld [tilespmem:s0+$0xA148];
	_ =	sdelay $0x4  }
0x167: {  	[tilespmem:s4+$0xA148] =	vst v0  }
0x168: {  	v0 =	vld [tilespmem:s0+$0xA158];
	_ =	sdelay $0x4  }
0x169: {  	[tilespmem:s4+$0xA158] =	vst v0  }
0x16a: {  	v0 =	vld [tilespmem:s0+$0xA168];
	_ =	sdelay $0x4  }
0x16b: {  	s2 =	sadd.s32 $0x1, s2;
	[tilespmem:s4+$0xA168] =	vst v0  }
.LBB2_37:
0x16c: {  	s3 =	sadd.s32 $0x1, s3  }
0x16d: {  	p0 =	sne.s32 s3, $0x20  }
.Ltmp24:
0x16e: {  	_ = 	snop;
	(pc) =	sbr.rel @!p0 .LBB2_38-.Ltmp24, $1  }
0x16f: {  	_ =	sdelay $0x3  }
.LBB2_30:
0x170: {  	v0 =	vld.msk [tilespmem:s3+$0xA118], $0x1;
	_ =	sdelay $0x4  }
0x171: {  	(v2sf) =	vpush v0, $0x0;
	_ =	sdelay $0xe  }
0x172: {  	s4 =	spop (v2sf)  }
0x173: {  	p0 =	seq.s32 s4, $0xFFFFFFFF  }
.Ltmp25:
0x174: {  	_ = 	snop;
	(pc) =	sbr.rel @p0 .LBB2_37-.Ltmp25, $1  }
0x175: {  	_ =	sdelay $0x3  }
0x176: {  	p0 =	slt.s32 s2, $0x1  }
.Ltmp26:
0x177: {  	_ = 	snop;
	(pc) =	sbr.rel @p0 .LBB2_36-.Ltmp26, $1  }
0x178: {  	_ =	sdelay $0x3  }
0x179: {  	s5 =	simm.s32 $0xA118;
	p0 =	por $0x0, $0x0  }
0x17a: {  	v1 =	vld.msk @!p0 [tilespmem:s5+$0x0], $0x1;
	_ =	sdelay $0x4  }
0x17b: {  	(v2sf) =	vpush @!p0 v1, $0x0;
	_ =	sdelay $0xd  }
0x17c: {  	p2 =	sne.s32 s2, $0x1  }
.Ltmp27:
0x17d: {  	s0 =	spop @!p0 (v2sf);
	(pc) =	sbr.rel @!p2 .LBB2_34-.Ltmp27, $4  }
0x17e: {  	p1 =	seq.s32 @!p0 s4, s0  }
0x17f: {  	s6 =	simm.s32 $0x0;
	p1 =	por !p1, p0  }
0x180: {  	s0 =	simm.s32 $0xFFFFFFFF;
	s6 =	simm.s32 @p1 $0xFFFFFFFF  }
0x181: {  	s7 =	simm.s32 $0x1;
	s6 =	smov.u32 @p0 s0  }
.LBB2_33:
0x182: {  	s0 =	smov.u32 s6;
	p0 =	sne.s32 s6, $0xFFFFFFFF  }
0x183: {  	s5 =	sadd.s32 $0x1, s5;
	s6 =	smov.u32 s7;
	s7 =	sadd.s32 $0x1, s7  }
0x184: {  	p1 =	sne.s32 s2, s7;
	v1 =	vld.msk @!p0 [tilespmem:s5+$0x0], $0x1;
	_ =	sdelay $0x4  }
0x185: {  	(v2sf) =	vpush @!p0 v1, $0x0;
	_ =	sdelay $0xe  }
.Ltmp28:
0x186: {  	s8 =	spop @!p0 (v2sf);
	(pc) =	sbr.rel @p1 .LBB2_33-.Ltmp28, $4  }
0x187: {  	p2 =	seq.s32 @!p0 s4, s8  }
0x188: {  	p2 =	por !p2, p0  }
0x189: {  	s6 =	simm.s32 @p2 $0xFFFFFFFF  }
0x18a: {  	s6 =	smov.u32 @p0 s0  }
.LBB2_34:
0x18b: {  	p0 =	seq.s32 s6, $0xFFFFFFFF  }
.Ltmp29:
0x18c: {  	_ = 	snop;
	(pc) =	sbr.rel @p0 .LBB2_36-.Ltmp29, $1  }
0x18d: {  	_ =	sdelay $0x3  }
0x18e: {  	s0 =	sshll.u32 s3, $0x6  }
0x18f: {  	s4 =	sshll.u32 s6, $0x8;
	s0 =	sand.u32 $0x3FFFFFC0, s0  }
0x190: {  	s4 =	sshra.s32 s4, $0x2;
	v0 =	vld [tilespmem:s0+$0xA138]  }
0x191: {  	v1 =	vld [tilespmem:s4+$0xA138];
	_ =	sdelay $0x4  }
0x192: {  	v0 =	vmax.f32 v0, v1  }
0x193: {  	v61 =	vld [tilespmem:s4+$0xA148];
	[tilespmem:s4+$0xA138] =	vst v0  }
0x194: {  	v0 =	vld [tilespmem:s0+$0xA148];
	_ =	sdelay $0x4  }
0x195: {  	v0 =	vmax.f32 v0, v61  }
0x196: {  	v62 =	vld [tilespmem:s4+$0xA158];
	[tilespmem:s4+$0xA148] =	vst v0  }
0x197: {  	v0 =	vld [tilespmem:s0+$0xA158];
	_ =	sdelay $0x4  }
0x198: {  	v0 =	vmax.f32 v0, v62  }
0x199: {  	v63 =	vld [tilespmem:s4+$0xA168];
	[tilespmem:s4+$0xA158] =	vst v0  }
0x19a: {  	v0 =	vld [tilespmem:s0+$0xA168];
	_ =	sdelay $0x1  }
.Ltmp30:
0x19b: {  	_ = 	snop;
	(pc) =	sbr.rel .LBB2_37-.Ltmp30, $3  }
0x19c: {  	_ =	sdelay $0x1  }
0x19d: {  	v0 =	vmax.f32 v0, v63  }
0x19e: {  	[tilespmem:s4+$0xA168] =	vst v0  }
.LBB2_38:
0x19f: {  	p0 =	slt.s32 s2, $0x1  }
.Ltmp31:
0x1a0: {  	_ = 	snop;
	(pc) =	sbr.rel @p0 .LBB2_42-.Ltmp31, $3  }
0x1a1: {  	_ =	sdelay $0x1  }
0x1a2: {  	s0 =	simm.s32 $0x6  }
0x1a3: {  	s3 =	simm.s32 $0x0;
	[sflag:s0] =	ssyncpa.u1 $0x1  }
0x1a4: {  	s0 =	simm.s32 $0xA118  }
0x1a5: {  	v0 =	vld.msk [tilespmem:s0+$0x0], $0x1;
	_ =	sdelay $0x4  }
0x1a6: {  	(v2sf) =	vpush v0, $0x0;
	_ =	sdelay $0xe  }
0x1a7: {  	s2 =	sadd.s32 $0xFFFFFFFF, s2;
	s0 =	spop (v2sf)  }
0x1a8: {  	p1 =	sne.s32 s2, $0x0;
	p0 =	sgt.u32 s0, $0x30D78  }
.Ltmp32:
0x1a9: {  	s5 =	sand.u32 @!p0 $0x3FFF8, s0;
	(pc) =	sbr.rel @!p1 .LBB2_41-.Ltmp32, $4  }
0x1aa: {  	s4 =	simm.s32 $0xA138;
	s0 =	sand.u32 @!p0 $0x7, s0;
	s5 =	sadd.s32 @!p0 s1, s5  }
0x1ab: {  	[hbm4b:s5+s0] =	stream.linear.scatter @!p0 [tilespmem:s4], [sflag:$0x5], $0x40, $0x38;
	[tilespmem:$0x1EF78] =	vst v63  }
0x1ac: {  	s0 =	simm.s32 $0x0  }
0x1ad: {  	s5 =	simm.s32 $0xA119;
	s0 =	simm.s32 @!p0 $0x100  }
.LBB2_40:
0x1ae: {  	v0 =	vld.msk [tilespmem:s5+$0x0], $0x1;
	s2 =	sadd.s32 $0xFFFFFFFF, s2;
	s3 =	sadd.s32 s3, s0  }
0x1af: {  	p0 =	sne.s32 s2, $0x0;
	_ =	sdelay $0x3  }
0x1b0: {  	(v2sf) =	vpush v0, $0x0;
	_ =	sdelay $0xe  }
.Ltmp33:
0x1b1: {  	s6 =	spop (v2sf);
	(pc) =	sbr.rel @p0 .LBB2_40-.Ltmp33, $4  }
0x1b2: {  	s0 =	simm.s32 $0x0;
	p1 =	sgt.u32 s6, $0x30D78  }
0x1b3: {  	s4 =	sadd.s32 $0x40, s4;
	s0 =	simm.s32 @!p1 $0x100;
	s7 =	sand.u32 @!p1 $0x3FFF8, s6  }
0x1b4: {  	s5 =	sadd.s32 $0x1, s5;
	s6 =	sand.u32 @!p1 $0x7, s6;
	s7 =	sadd.s32 @!p1 s1, s7  }
0x1b5: {  	[hbm4b:s7+s6] =	stream.linear.scatter @!p1 [tilespmem:s4], [sflag:$0x5], $0x40, $0x38;
	[tilespmem:$0x1EF78] =	vst v63  }
.LBB2_41:
0x1b6: {  	s0 =	sadd.s32 s3, s0  }
0x1b7: {  	s3 =	sshrl.u32 s0, $0x2  }
.LBB2_42:
0x1b8: {  	s0 =	simm.s32 $0x5  }
0x1b9: {  	_ =	swait.ge [sflag:s0], s3  }
0x1ba: {  	s1 =	ssub.s32 $0x0, s3;
	[sflag:s0] =	ssyncset.done $0x0  }
0x1bb: {  	[sflag:s0] =	ssyncadd.s32 s1  }
0x1bc: {  	[sflag:s0] =	ssyncpa.u1 $0x1  }
0x1bd: {  	s30 =	simm.s32 $0x1;
	_ =	sfence  }
0x1be: {  	[sflag:s30] =	ssyncpa.u1 $0x1  }
0x1bf: {  	_ =	strace $0x9000004A  }
0x1c0: {  	[bflag:$0x2] =	sbarrier.arrive $0xFFFF  }
0x1c1: {  	s31 =	rddreg [dreg:$0x2]  }
0x1c2: {  	s0 =	sadd.s32 $0x100000, s31  }
0x1c3: {  	[sflag:s0] =	ssyncadd.tile.s32 $0x1;
	_ =	shalt  }
.Lfunc_end2:
_tile_overlayer_lowered:
.L_overlay_start_2:
0x1c4: {  	(tag) =	ssettag $0x2  }
0x1c5: {  	s0 =	rddreg [dreg:$0x0];
	s2 =	stileid.u32  }
0x1c6: {  	s1 =	rddreg [dreg:$0x1];
	p0 =	sne.s32 s2, $0x0  }
0x1c7: {  	s3 =	rddreg [dreg:$0x2];
	[bflag:$0x3] =	sbarrier.arrive $0xFFFF;
	s2 =	simm.s32 @!p0 $0x1C01  }
0x1c8: {  	[timem:s3], [sflag:s2] =	dma.local @!p0 [hbm:s0], s1  }
0x1c9: {  	s0 =	simm.s32 @!p0 $0x1  }
0x1ca: {  	_ =	swait.ge @!p0 [sflag:s0], s1  }
0x1cb: {  	s1 =	ssub.s32 @!p0 $0x0, s1;
	[sflag:s0] =	ssyncset.done @!p0 $0x0  }
0x1cc: {  	[sflag:s0] =	ssyncadd.s32 @!p0 s1  }
0x1cd: {  	[bflag:$0x3] =	sbarrier.arrive $0xFFFF  }
0x1ce: {  	_ =	shalt  }

// kernel: sparse-core-data-format-call.cloned.1.call-start
scs
called_computation.1_lowered:
.L_overlay_start_0:
0x0: {  	s1 =	sld [smem:$0x3FD9]  }
0x1: {  	s2 =	sld [smem:$0x3FFE];
	_ =	sdelay $0x1  }
0x2: {  	s3 =	srdreg.scid  }
0x3: {  	s0 =	sand.u32 $0x1, s3  }
0x4: {  	s17 =	sshll.u32 s0, $0xA;
	s1 =	sadd.s32 s2, s1  }
0x5: {  	s1 =	sadd.s32 s1, s17  }
0x6: {  	[smem:$0x3FBF] =	sst s1  }
0x7: {  	_ = 	snop  }
0x8: {  	(tm) =	ssettm $0x1  }
0x9: {  	s18 =	sld [smem:$0x3FFB];
	_ =	sdelay $0x3  }
0xa: {  	_ =	strace s18  }
0xb: {  	s1 =	sld [smem:$0x3FFC];
	_ =	sdelay $0x3  }
0xc: {  	_ =	strace s1  }
0xd: {  	s1 =	sld [smem:$0x3FFD];
	_ =	sdelay $0x3  }
0xe: {  	_ =	strace s1  }
0xf: {  	_ =	strace $0x8FFFFFFF  }
0x10: {  	s19 =	sld [smem:$0x3FDB];
	_ =	sdelay $0x1  }
0x11: {  	s20 =	simm.s32 $_scs_section_size  }
0x12: {  	s4 =	simm.s32 $_size__tile_overlayer_lowered;
	s5 =	simm.s32 $_tile_overlayer_lowered  }
0x13: {  	s23 =	simm.s32 $0x1BFF;
	s22 =	sshll.u32 s5, $0x1;
	s1 =	sadd.s32 s20, s19  }
0x14: {  	s6 =	simm.s32 $0x0;
	s21 =	sshll.u32 s4, $0x1;
	s4 =	sadd.s32 s22, s1  }
0x15: {  	[timem:s6], [sflag:s23] =	dma.local [hbm:s4], s21  }
0x16: {  	_ =	swait.ge [sflag:s23], s21  }
0x17: {  	s2 =	ssub.s32 $0x0, s21;
	[sflag:s23] =	ssyncset.done $0x0  }
0x18: {  	[sflag:s23] =	ssyncadd.s32 s2;
	_ =	sdelay $0x1  }
0x19: {  	s24 =	simm.s32 $0x1B8B  }
0x1a: {  	_ =	swait.ge [sflag:s24], $0x1  }
0x1b: {  	[sflag:s24] =	ssyncset.done $0x0  }
0x1c: {  	s26 =	simm.s32 $0x1B8E;
	s25 =	sld [smem:$0x3FFE];
	[sflag:s24] =	ssyncadd.s32 $0xFFFFFFFF  }
0x1d: {  	s27 =	simm.s32 $execute0_lowered;
	[smem:$0x3FD2] =	sst s26  }
0x1e: {  	s4 =	sshll.u32 s27, $0x1;
	_ =	strace $0x80000046;
	[dreg:$0x1] =	wrdreg $0xFFFFFFFF  }
0x1f: {  	s28 =	simm.s32 $_size_execute0_lowered;
	s1 =	sadd.s32 s1, s4;
	[dreg:$0x0] =	wrdreg $0x0  }
0x20: {  	s4 =	sshll.u32 s28, $0x1;
	[dreg:$0x2] =	wrdreg s1  }
0x21: {  	[dreg:$0x3] =	wrdreg s4  }
0x22: {  	[dreg:$0x4] =	wrdreg $0xC0  }
0x23: {  	_ =	task [dreg:s6], $0x5FFFF  }
0x24: {  	[dreg:$0x1] =	wrdreg $0xFFFFFFFF  }
0x25: {  	[dreg:$0x0] =	wrdreg $0x60  }
0x26: {  	[dreg:$0x2] =	wrdreg s25  }
0x27: {  	[dreg:$0x3] =	wrdreg $0x9  }
0x28: {  	_ =	task.clear_ibuf [dreg:s6], $0x4FFFF;
	_ =	strace $0x90000046  }
0x29: {  	s29 =	simm.s32 $0x9;
	_ =	strace $0x80000048  }
0x2a: {  	_ =	swait.ge [sflag:s29], $0x1  }
0x2b: {  	[sflag:s29] =	ssyncadd.s32 $0xFFFFFFFF  }
0x2c: {  	_ =	strace $0x90000048  }
0x2d: {  	_ =	sfence  }
0x2e: {  	s30 =	sld [smem:$0x0];
	_ =	sdelay $0x2  }
0x2f: {  	s31 =	sshll.u32 s3, $0xD;
	s3 =	sshrl.u32 s3, $0x2  }
0x30: {  	s2 =	sand.u32 $0x4000, s31;
	s1 =	sadd.s32 s3, s30  }
0x31: {  	s0 =	sor.u32 s2, s0;
	s1 =	sshll.u32 s1, $0x11  }
0x32: {  	s0 =	sor.u32 s1, s0  }
0x33: {  	s0 =	sadd.s32 $0x8F2B, s0  }
0x34: {  	[sflag:s0] =	ssyncadd.remote.s32 $0x1  }
0x35: {  	_ =	sfence.sel $0xFFFF  }
0x36: {  	[dreg:$0x0] =	wrdreg $0xFFFFFFFF;
	(pc) =	sbr.abs _section_cstart, $3  }
0x37: {  	[dreg:$0x1] =	wrdreg $0xFFFFFFFF  }
0x38: {  	_ =	task.clear_ibuf [dreg:s6], $0x2FFFF;
	_ =	strace $0x9FFFFFFF  }
0x39: {  	(tm) =	ssettm $0x7FFFFFFF  }
tec
execute0_lowered:
.L_overlay_start_1:
0x0: {  	(tag) =	ssettag $0x1  }
0x1: {  	s0 =	srdreg.scid  }
0x2: {  	s5 =	rddreg [dreg:$0x0];
	s1 =	stileid.u32;
	s4 =	simm.s32 $0x1  }
0x3: {  	s6 =	simm.s32 $0x2;
	s15 =	simm.s32 $0x0;
	p0 =	por $0x0, $0x0  }
0x4: {  	s8 =	simm.s32 $0x80;
	s14 =	simm.s32 $0x0;
	s2 =	sshll.u32 s0, $0x4  }
0x5: {  	s9 =	simm.s32 $0x0;
	s10 =	simm.s32 $0x0;
	s2 =	sand.u32 $0x10, s2  }
.Ltmp0:
0x6: {  	s12 =	simm.s32 $0x0;
	s3 =	sor.u32 s1, s2;
	(pc) =	sbr.rel .LBB1_1-.Ltmp0, $4  }
0x7: {  	s0 =	rddreg [dreg:$0x1];
	_ =	strace $0x80000047;
	s3 =	sshll.u32 s3, $0x7  }
0x8: {  	s13 =	simm.s32 $0x0;
	[sflag:s4] =	ssyncpa.u1 $0x0;
	s7 =	ssub.s32 $0x64B00, s3  }
0x9: {  	s2 =	sadd.s32 $0x44AE00, s5;
	[sflag:s6] =	ssyncpa.u1 $0x0;
	s6 =	sshrl.u32 s7, $0xC  }
0xa: {  	s5 =	sadd.s32 $0x770A00, s5;
	s11 =	smov.u32 s3;
	s7 =	sadd.s32 $0x2, s6  }
.LBB1_5:
0xb: {  	p1 =	slt.u32 s13, $0x2  }
0xc: {  	s17 =	smov.u32 s15;
	p2 =	sgt.s32 @!p1 s15, $0x64AD8;
	s16 =	sshra.s32 @!p1 s15, $0x1F  }
0xd: {  	p3 =	sgt.s32 @!p1 s14, $0x40;
	s18 =	sshra.s32 @!p1 s14, $0x1F;
	p2 =	por !p2, p1  }
0xe: {  	s15 =	sand.u32 @!p1 s16, s15;
	p3 =	por !p3, p1;
	s16 =	smov.u32 s14  }
0xf: {  	s14 =	sand.u32 @!p1 s18, s14;
	s17 =	simm.s32 @p2 $0x64AD8;
	s16 =	simm.s32 @p3 $0x40  }
0x10: {  	s15 =	ssub.s32 @!p1 s17, s15;
	s14 =	ssub.s32 @!p1 s16, s14  }
0x11: {  	s18 =	smov.u32 s12;
	s16 =	sadd.s32 @!p1 $0xFFF9B528, s15;
	s17 =	sadd.s32 @!p1 $0xFFFFFFC0, s14  }
0x12: {  	s15 =	ssub.s32 @!p1 $0x64B58, s15;
	p2 =	sgt.s32 @!p1 s16, $0x7F;
	p3 =	sgt.s32 @!p1 s17, $0x3F  }
0x13: {  	s14 =	ssub.s32 @!p1 $0x80, s14;
	p2 =	por !p2, p1;
	p3 =	por !p3, p1  }
0x14: {  	s16 =	sadd.s32 $0x1000, s11;
	s15 =	simm.s32 @!p2 $0x0;
	s14 =	simm.s32 @!p3 $0x0  }
0x15: {  	p2 =	sgt.s32 s16, $0x64B53;
	s14 =	smul.u32 @!p1 s14, s15;
	s15 =	sadd.s32 $0x40, s12  }
0x16: {  	s18 =	smov.u32 @p2 s15  }
0x17: {  	s16 =	smov.u32 @p2 s3;
	p2 =	sgt.s32 s18, $0x3F  }
0x18: {  	s18 =	simm.s32 @p2 $0x0;
	p2 =	sne.s32 s13, s7  }
.Ltmp1:
0x19: {  	p0 =	por !p0, !p0;
	s17 =	simm.s32 @!p1 $0x2;
	(pc) =	sbr.rel @!p2 .LBB1_6-.Ltmp1, $4  }
0x1a: {  	s15 =	smov.u32 s9;
	s9 =	smov.u32 s11;
	s14 =	sand.u32 @!p1 $0x3FFFFFFF, s14  }
0x1b: {  	s11 =	smov.u32 s16;
	_ =	swait.ge @!p1 [sflag:s17], s14;
	s19 =	ssub.s32 @!p1 $0x0, s14  }
0x1c: {  	s14 =	smov.u32 s10;
	s13 =	sadd.s32 $0x1, s13;
	[sflag:s17] =	ssyncset.done @!p1 $0x0  }
0x1d: {  	s10 =	smov.u32 s12;
	s12 =	smov.u32 s18;
	[sflag:s17] =	ssyncadd.s32 @!p1 s19  }
.LBB1_1:
0x1e: {  	p1 =	sgt.u32 s13, s6  }
0x1f: {  	s16 =	sshrl.u32 @!p1 s12, $0x3  }
0x20: {  	s17 =	sshll.u32 @!p1 s11, $0x3;
	s16 =	smul.u32 @!p1 $0x325C00, s16  }
0x21: {  	s18 =	sshll.u32 @!p1 s12, $0x7;
	s17 =	sand.u32 @!p1 $0xFFFFFC00, s17  }
0x22: {  	s16 =	sadd.s32 @!p1 s16, s17;
	s17 =	sand.u32 @!p1 $0x380, s18  }
0x23: {  	s18 =	sand.u32 @!p1 $0x7F, s11;
	s16 =	sor.u32 @!p1 s17, s16  }
0x24: {  	s17 =	sor.u32 @!p1 s18, s16  }
0x25: {  	s18 =	smulhi.u32 @!p1 $0xA2ABB9C9, s17;
	_ =	sdelay $0x1  }
0x26: {  	s16 =	smulhi.u32 @!p1 $0xA2ABB9C9, s16;
	s18 =	sshrl.u32 @!p1 s18, $0x12  }
0x27: {  	s18 =	smul.u32 @!p1 $0x64B80, s18  }
0x28: {  	s19 =	sxor.u32 @!p1 $0xFFFFFFFF, s13;
	s16 =	sshrl.u32 @!p1 s16, $0x12  }
0x29: {  	s19 =	sshll.u32 @!p1 s19, $0xD;
	s16 =	sand.u32 @!p1 $0x3F, s16;
	s17 =	ssub.s32 @!p1 s17, s18  }
0x2a: {  	s16 =	smul.u32 @!p1 $0xC970, s16;
	s18 =	sshrl.u32 @!p1 s17, $0x3;
	s17 =	sand.u32 @!p1 $0x7, s17  }
0x2b: {  	s19 =	sand.u32 @!p1 $0x2000, s19;
	s18 =	sadd.s32 @!p1 s2, s18;
	s17 =	sshll.u32 @!p1 s17, $0x12  }
0x2c: {  	s16 =	sadd.s32 @!p1 s16, s18;
	s17 =	sor.u32 @!p1 $0x400, s17;
	s18 =	simm.s32 @!p1 $0x325C00  }
0x2d: {  	[tilespmem:s19], [sflag:$0x1] =	stream.strided.gather @!p1 [hbm4b:s16+s17], $0x2000, s18, s17, $0x38;
	[tilespmem:$0x8100] =	vst v63  }
0x2e: {  	p1 =	seq.s32 s13, $0x0  }
0x2f: {  	p2 =	sge.u32 @!p1 s13, s7  }
0x30: {  	p1 =	por p1, p2  }
.Ltmp2:
0x31: {  	_ = 	snop;
	(pc) =	sbr.rel @p1 .LBB1_5-.Ltmp2, $1  }
0x32: {  	_ =	sdelay $0x3  }
0x33: {  	s16 =	simm.s32 $0x1  }
0x34: {  	_ =	swait.ge [sflag:s4], $0x2000;
	s16 =	simm.s32 @!p0 $0x0  }
0x35: {  	[sflag:s4] =	ssyncset.done $0x0;
	s17 =	sshll.u32 s16, $0xD  }
0x36: {  	[sflag:s4] =	ssyncadd.s32 $0xFFFFE000;
	s17 =	sor.u32 $0x40, s17  }
0x37: {  	s16 =	smul.u32 $0x8200, s16;
	v0 =	vld [tilespmem:s17+$0x30]  }
0x38: {  	v1 =	vld [tilespmem:s17+$0xFFFFFFD0]  }
0x39: {  	s16 =	sshrl.u32 s16, $0x2;
	v5 =	vld [tilespmem:s17+$0xFFFFFFE0]  }
0x3a: {  	v6 =	vld [tilespmem:s17+$0xFFFFFFF0];
	s19 =	sor.u32 $0x4000, s16  }
0x3b: {  	s31 =	sand.u32 $0x1, s13;
	v4 =	vld [tilespmem:s17+$0x0];
	s18 =	sadd.s32 $0x0, s19  }
0x3c: {  	v3 =	vld [tilespmem:s17+$0x10];
	s16 =	smul.u32 $0x8200, s31;
	[tilespmem:s18+$0x1C70 ss:$0x41] =	vst.msk $0xffff, v0  }
0x3d: {  	v2 =	vld [tilespmem:s17+$0x20];
	[tilespmem:s18+$0x410 ss:$0x41] =	vst.msk $0xffff, v1  }
0x3e: {  	s16 =	sshrl.u32 s16, $0x2;
	v1 =	vld [tilespmem:s17+$0xFFFFFFC0];
	[tilespmem:s18+$0x820 ss:$0x41] =	vst.msk $0xffff, v5;
	s17 =	sadd.s32 $0x80, s17  }
0x3f: {  	s20 =	simm.s32 $0x4;
	s21 =	simm.s32 $0x8;
	s16 =	sor.u32 $0x4000, s16;
	[tilespmem:s18+$0xC30 ss:$0x41] =	vst.msk $0xffff, v6;
	v0 =	vld [tilespmem:s17+$0x30]  }
.LBB1_3:
0x40: {  	p1 =	sne.s32 s21, $0xFC;
	v5 =	vld [tilespmem:s17+$0xFFFFFFD0];
	[tilespmem:s18+$0x1040 ss:$0x41] =	vst.msk $0xffff, v4  }
0x41: {  	v6 =	vld [tilespmem:s17+$0xFFFFFFE0];
	[tilespmem:s18+$0x1450 ss:$0x41] =	vst.msk $0xffff, v3  }
0x42: {  	s22 =	sshra.s32 s20, $0x2;
	s20 =	smov.u32 s21;
	v7 =	vld [tilespmem:s17+$0xFFFFFFF0];
	[tilespmem:s18+$0x1860 ss:$0x41] =	vst.msk $0xffff, v2  }
.Ltmp3:
0x43: {  	v4 =	vld [tilespmem:s17+$0x0];
	[tilespmem:s18+$0x0 ss:$0x41] =	vst.msk $0xffff, v1;
	s18 =	sadd.s32 s22, s19;
	(pc) =	sbr.rel @p1 .LBB1_3-.Ltmp3, $4  }
0x44: {  	v3 =	vld [tilespmem:s17+$0x10];
	[tilespmem:s18+$0x1C70 ss:$0x41] =	vst.msk $0xffff, v0  }
0x45: {  	[tilespmem:s18+$0x410 ss:$0x41] =	vst.msk $0xffff, v5;
	v2 =	vld [tilespmem:s17+$0x20]  }
0x46: {  	v1 =	vld [tilespmem:s17+$0xFFFFFFC0];
	[tilespmem:s18+$0x820 ss:$0x41] =	vst.msk $0xffff, v6;
	s17 =	sadd.s32 $0x80, s17  }
0x47: {  	s21 =	sadd.s32 $0x4, s21;
	v0 =	vld [tilespmem:s17+$0x30];
	[tilespmem:s18+$0xC30 ss:$0x41] =	vst.msk $0xffff, v7  }
0x48: {  	s21 =	sshll.u32 s9, $0x7;
	s22 =	sshll.u32 s10, $0x3;
	s20 =	sshra.s32 s20, $0x2  }
0x49: {  	p1 =	sgt.s32 s9, $0x64AD8;
	s30 =	sshra.s32 s9, $0x1F;
	s25 =	sshra.s32 s10, $0x1F  }
0x4a: {  	v5 =	vld [tilespmem:s17+$0xFFFFFFD0];
	s28 =	sshrl.u32 s10, $0x3;
	s23 =	sand.u32 $0xFFFFFC00, s21;
	s22 =	sand.u32 $0xFFFFFC00, s22  }
0x4b: {  	[tilespmem:s18+$0x1040 ss:$0x41] =	vst.msk $0xffff, v4;
	v58 =	vld [tilespmem:s17+$0xFFFFFFE0];
	s21 =	sand.u32 $0x380, s21;
	s19 =	sadd.s32 s20, s19;
	s22 =	sadd.s32 s22, s23  }
0x4c: {  	v59 =	vld [tilespmem:s17+$0xFFFFFFF0];
	[tilespmem:s18+$0x1450 ss:$0x41] =	vst.msk $0xffff, v3;
	s29 =	sor.u32 s21, s22;
	s21 =	smov.u32 s9;
	s22 =	sand.u32 s30, s9  }
0x4d: {  	v60 =	vld [tilespmem:s17+$0x0];
	[tilespmem:s18+$0x1860 ss:$0x41] =	vst.msk $0xffff, v2;
	s30 =	sand.u32 $0x7, s10;
	s20 =	sshrl.u32 s29, $0x7;
	s21 =	simm.s32 @!p1 $0x64AD8  }
0x4e: {  	v61 =	vld [tilespmem:s17+$0x10];
	[tilespmem:s18+$0x0 ss:$0x41] =	vst.msk $0xffff, v1;
	p1 =	sgt.s32 s10, $0x40;
	s24 =	ssub.s32 s21, s22;
	s21 =	smov.u32 s10  }
0x4f: {  	v62 =	vld [tilespmem:s17+$0x20];
	[tilespmem:s19+$0x1C70 ss:$0x41] =	vst.msk $0xffff, v0;
	s31 =	smulhi.u32 $0x28ABF0F, s20;
	s22 =	sand.u32 s25, s10;
	s21 =	simm.s32 @!p1 $0x40  }
0x50: {  	v63 =	vld [tilespmem:s17+$0xFFFFFFC0];
	[tilespmem:s19+$0x410 ss:$0x41] =	vst.msk $0xffff, v5;
	s26 =	sadd.s32 $0xFFF9B528, s24;
	s17 =	ssub.s32 $0x64B58, s24;
	s21 =	ssub.s32 s21, s22  }
0x51: {  	[tilespmem:s19+$0x820 ss:$0x41] =	vst.msk $0xffff, v58;
	s23 =	sshrl.u32 s31, $0xC;
	p1 =	sgt.s32 s26, $0x7F;
	s27 =	sadd.s32 $0xFFFFFFC0, s21  }
0x52: {  	[tilespmem:s19+$0xC30 ss:$0x41] =	vst.msk $0xffff, v59;
	s23 =	smul.u32 $0x64B58, s23;
	s18 =	ssub.s32 $0x80, s21;
	p2 =	sgt.s32 s27, $0x3F  }
.Ltmp4:
0x53: {  	[tilespmem:s19+$0x1040 ss:$0x41] =	vst.msk $0xffff, v60;
	s17 =	simm.s32 @p1 $0x0;
	s18 =	simm.s32 @p2 $0x0;
	(pc) =	sbr.rel .LBB1_5-.Ltmp4, $4  }
0x54: {  	s29 =	sand.u32 $0xF, s28;
	[tilespmem:s19+$0x1450 ss:$0x41] =	vst.msk $0xffff, v61;
	s20 =	ssub.s32 s20, s23;
	s17 =	smul.u32 s18, s17  }
0x55: {  	[tilespmem:s19+$0x1860 ss:$0x41] =	vst.msk $0xffff, v62;
	s21 =	sshll.u32 s30, $0x12;
	s20 =	sshll.u32 s20, $0x4;
	s18 =	sadd.s32 s5, s29  }
0x56: {  	[tilespmem:s19+$0x0 ss:$0x41] =	vst.msk $0xffff, v63;
	s31 =	sor.u32 $0x40, s21;
	s18 =	sadd.s32 s20, s18;
	s17 =	sand.u32 $0x3FFFFFFF, s17  }
0x57: {  	[hbm4b:s18+s31] =	stream.strided.scatter [tilespmem:s16], [sflag:$0x2], s17, s8, s31, $0x18;
	[tilespmem:$0x8100] =	vst v63  }
.LBB1_6:
0x58: {  	_ =	sfence.sel $0x180000  }
0x59: {  	s2 =	simm.s32 $0x1;
	[bflag:$0x0] =	sbarrier.arrive $0xFFFF  }
0x5a: {  	s31 =	simm.s32 $0x2;
	[sflag:s2] =	ssyncpa.u1 $0x1  }
0x5b: {  	[sflag:s31] =	ssyncpa.u1 $0x1  }
0x5c: {  	p0 =	sne.s32 s1, $0x0;
	_ =	strace $0x90000047  }
0x5d: {  	s0 =	sadd.s32 @!p0 $0x100000, s0;
	[bflag:$0x2] =	sbarrier.arrive $0xFFFF  }
0x5e: {  	[sflag:s0] =	ssyncadd.tile.s32 @!p0 $0x1;
	_ =	shalt  }
.Lfunc_end1:
_tile_overlayer_lowered:
.L_overlay_start_2:
0x5f: {  	(tag) =	ssettag $0x2  }
0x60: {  	s0 =	rddreg [dreg:$0x0];
	s2 =	stileid.u32  }
0x61: {  	s1 =	rddreg [dreg:$0x1];
	p0 =	sne.s32 s2, $0x0  }
0x62: {  	s3 =	rddreg [dreg:$0x2];
	[bflag:$0x3] =	sbarrier.arrive $0xFFFF;
	s2 =	simm.s32 @!p0 $0x1C01  }
0x63: {  	[timem:s3], [sflag:s2] =	dma.local @!p0 [hbm:s0], s1  }
0x64: {  	s0 =	simm.s32 @!p0 $0x1  }
0x65: {  	_ =	swait.ge @!p0 [sflag:s0], s1  }
0x66: {  	s1 =	ssub.s32 @!p0 $0x0, s1;
	[sflag:s0] =	ssyncset.done @!p0 $0x0  }
0x67: {  	[sflag:s0] =	ssyncadd.s32 @!p0 s1  }
0x68: {  	[bflag:$0x3] =	sbarrier.arrive $0xFFFF  }
0x69: {  	_ =	shalt  }

</sc_bundles>
